<compile_context>
chip_gen: v7x
topology: tpu7x:2x2x1
jax: 0.10.2.dev20260603
libtpu: 0.0.44.dev20260713+nightly
codegen_flags: <defaults>
</compile_context>

<pallas_src>
import jax
import jax.numpy as jnp
from jax import lax
from jax.experimental import pallas as pl
from jax.experimental.pallas import tpu as pltpu
from jax.experimental.pallas import tpu_sc as plsc

N_NODES = 10000
E_EDGES = 320000
IN_CH = 128
HID = 64
OUT = 64
K_HOPS = 10
ALPHA = 0.1

NC = 2
NS = 16
LANES = 16
FH = OUT // 2

NPT = 640
N_PAD = NS * NPT
C_EDGE = 128
E_TOT = E_EDGES + N_NODES
N_CHUNK = -(-E_TOT // (NS * C_EDGE))
E_PAD = NS * N_CHUNK * C_EDGE
NBUF = 3
N_CHUNK_A = N_CHUNK + NBUF
NZC = NPT // C_EDGE


def _dense_tc_kernel(xc_ref, xn_ref, w1_ref, w2_ref, skip_ref, hid_ref):
    dn = (((1,), (1,)), ((), ()))
    w1 = w1_ref[...]
    w2 = w2_ref[...]
    hc = jnp.maximum(lax.dot_general(xc_ref[...], w1, dn,
                                     preferred_element_type=jnp.float32), 0.0)
    skip_ref[...] = lax.dot_general(hc, w2, dn,
                                    preferred_element_type=jnp.float32)
    hn = jnp.maximum(lax.dot_general(xn_ref[...], w1, dn,
                                     preferred_element_type=jnp.float32), 0.0)
    hid_ref[...] = lax.dot_general(hn, w2, dn,
                                   preferred_element_type=jnp.float32)


def _rsqrt_newton(d):
    y = lax.bitcast_convert_type(
        jnp.int32(0x5F3759DF) - lax.shift_right_logical(
            lax.bitcast_convert_type(d, jnp.int32), 1),
        jnp.float32)
    half_d = 0.5 * d
    for _ in range(4):
        y = y * (1.5 - half_d * y * y)
    return jnp.where(d > 0.0, y, 0.0)


def _sc_body(h0_hbm, skip_hbm, row_hbm, col_hbm,
             out_hbm,
             col_v, rx0, rx1, rx2, gb0, gb1, gb2, zsmall, accbuf,
             h0buf, dinv_v,
             gs0, gs1, gs2, ss0, ss1, ss2, rs0, rs1, rs2, hs0,
             acc_sh, g_sh):
    cid = lax.axis_index("c")
    sid = lax.axis_index("s")
    nbase = sid * NPT
    ridxs = (rx0, rx1, rx2)
    gbufs = (gb0, gb1, gb2)
    gsems = (gs0, gs1, gs2)
    ssems = (ss0, ss1, ss2)
    rsems = (rs0, rs1, rs2)

    pltpu.sync_copy(col_hbm.at[sid], col_v)

    ones16 = jnp.ones((LANES,), jnp.float32)
    zero16 = jnp.zeros((LANES,), jnp.float32)

    def fill_const(i, _):
        gb0[i, pl.ds(0, LANES)] = ones16
        gb0[i, pl.ds(LANES, LANES)] = ones16
        zsmall[i, pl.ds(0, LANES)] = zero16
        zsmall[i, pl.ds(LANES, LANES)] = zero16
        return 0
    lax.fori_loop(0, C_EDGE, fill_const, 0)

    for z in range(NZC):
        pltpu.sync_copy(zsmall, acc_sh.at[pl.ds(nbase + z * C_EDGE, C_EDGE)])
    plsc.subcore_barrier()

    for b in range(NBUF):
        pltpu.async_copy(row_hbm.at[sid, b], ridxs[b], rsems[b])

    def deg_trio(jj, _):
        j0 = jj * NBUF
        for b in range(NBUF):
            pltpu.make_async_copy(row_hbm.at[sid, 0], ridxs[b],
                                  rsems[b]).wait()
            pltpu.async_copy(gb0, acc_sh.at[ridxs[b]], ssems[b], add=True)
        for b in range(NBUF):
            pltpu.make_async_copy(gb0, acc_sh.at[ridxs[b]], ssems[b]).wait()
            pltpu.async_copy(row_hbm.at[sid, j0 + b + NBUF], ridxs[b],
                             rsems[b])
        return 0
    lax.fori_loop(0, N_CHUNK // NBUF, deg_trio, 0)
    for b in range(NBUF):
        pltpu.make_async_copy(row_hbm.at[sid, 0], ridxs[b], rsems[b]).wait()
    plsc.subcore_barrier()

    pltpu.sync_copy(acc_sh.at[pl.ds(nbase, NPT)], accbuf)
    pltpu.sync_copy(h0_hbm.at[cid, pl.ds(nbase, NPT)], h0buf)

    def node_init(n, _):
        d = accbuf[n, pl.ds(0, LANES)]
        dinv = _rsqrt_newton(d)
        dinv_v[n, :] = dinv
        for k in range(FH // LANES):
            h = h0buf[n, pl.ds(k * LANES, LANES)]
            h0buf[n, pl.ds(k * LANES, LANES)] = dinv * h
        return 0
    lax.fori_loop(0, NPT, node_init, 0)

    pltpu.sync_copy(h0buf, g_sh.at[pl.ds(nbase, NPT)])

    for z in range(NZC):
        pltpu.sync_copy(zsmall, acc_sh.at[pl.ds(nbase + z * C_EDGE, C_EDGE)])
    plsc.subcore_barrier()

    def scatter_phase():
        for b in range(NBUF):
            pltpu.async_copy(row_hbm.at[sid, b], ridxs[b], rsems[b])
            pltpu.async_copy(g_sh.at[col_v.at[b]], gbufs[b], gsems[b])

        def trio(jj, _):
            j0 = jj * NBUF
            for b in range(NBUF):
                pltpu.make_async_copy(g_sh.at[col_v.at[0]], gbufs[b],
                                      gsems[b]).wait()
                pltpu.make_async_copy(row_hbm.at[sid, 0], ridxs[b],
                                      rsems[b]).wait()
                pltpu.async_copy(gbufs[b], acc_sh.at[ridxs[b]], ssems[b],
                                 add=True)
            for b in range(NBUF):
                pltpu.make_async_copy(gbufs[b], acc_sh.at[ridxs[b]],
                                      ssems[b]).wait()
                pltpu.async_copy(row_hbm.at[sid, j0 + b + NBUF], ridxs[b],
                                 rsems[b])
                pltpu.async_copy(g_sh.at[col_v.at[j0 + b + NBUF]], gbufs[b],
                                 gsems[b])
            return 0
        lax.fori_loop(0, N_CHUNK // NBUF, trio, 0)

        for b in range(NBUF):
            pltpu.make_async_copy(g_sh.at[col_v.at[0]], gbufs[b],
                                  gsems[b]).wait()
            pltpu.make_async_copy(row_hbm.at[sid, 0], ridxs[b],
                                  rsems[b]).wait()

    def hop(t, _):
        h0cp = pltpu.make_async_copy(
            h0_hbm.at[cid, pl.ds(nbase, NPT)], h0buf, hs0)
        h0cp.start()
        scatter_phase()
        plsc.subcore_barrier()

        pltpu.sync_copy(acc_sh.at[pl.ds(nbase, NPT)], accbuf)
        for z in range(NZC):
            pltpu.sync_copy(zsmall,
                            acc_sh.at[pl.ds(nbase + z * C_EDGE, C_EDGE)])

        @pl.when(t < K_HOPS - 1)
        def _():
            pltpu.make_async_copy(
                h0_hbm.at[cid, pl.ds(nbase, NPT)], h0buf, hs0).wait()

            def upd(n, _):
                dinv = dinv_v[n, :]
                c2 = (1.0 - ALPHA) * dinv * dinv
                adinv = ALPHA * dinv
                for k in range(FH // LANES):
                    s = accbuf[n, pl.ds(k * LANES, LANES)]
                    accbuf[n, pl.ds(k * LANES, LANES)] = (
                        c2 * s + adinv * h0buf[n, pl.ds(k * LANES, LANES)])
                return 0
            lax.fori_loop(0, NPT, upd, 0)
            pltpu.sync_copy(accbuf, g_sh.at[pl.ds(nbase, NPT)])

        @pl.when(t == K_HOPS - 1)
        def _():
            pltpu.make_async_copy(
                h0_hbm.at[cid, pl.ds(nbase, NPT)], h0buf, hs0).wait()

            def fin(n, _):
                dinv = dinv_v[n, :]
                for k in range(FH // LANES):
                    s = accbuf[n, pl.ds(k * LANES, LANES)]
                    accbuf[n, pl.ds(k * LANES, LANES)] = (
                        (1.0 - ALPHA) * dinv * s
                        + ALPHA * h0buf[n, pl.ds(k * LANES, LANES)])
                return 0
            lax.fori_loop(0, NPT, fin, 0)
            pltpu.sync_copy(skip_hbm.at[cid, pl.ds(nbase, NPT)], h0buf)

            def fin2(n, _):
                for k in range(FH // LANES):
                    accbuf[n, pl.ds(k * LANES, LANES)] = (
                        accbuf[n, pl.ds(k * LANES, LANES)]
                        + h0buf[n, pl.ds(k * LANES, LANES)])
                return 0
            lax.fori_loop(0, NPT, fin2, 0)
            pltpu.sync_copy(accbuf, out_hbm.at[cid, pl.ds(nbase, NPT)])

        plsc.subcore_barrier()
        return 0

    lax.fori_loop(0, K_HOPS, hop, 0)


def kernel(x_clean, x_noised, edge_index, W1, W2):
    skip, hidden = pl.pallas_call(
        _dense_tc_kernel,
        out_shape=[
            jax.ShapeDtypeStruct((N_NODES, OUT), jnp.float32),
            jax.ShapeDtypeStruct((N_NODES, OUT), jnp.float32),
        ],
    )(x_clean, x_noised, W1, W2)

    loop = jnp.arange(N_NODES, dtype=jnp.int32)
    pad = jnp.full((E_PAD - E_TOT,), N_NODES, dtype=jnp.int32)
    tail = jnp.full((NS, NBUF, C_EDGE), N_NODES, dtype=jnp.int32)
    row = jnp.concatenate([edge_index[0], loop, pad]).reshape(NS, N_CHUNK, C_EDGE)
    col = jnp.concatenate([edge_index[1], loop, pad]).reshape(NS, N_CHUNK, C_EDGE)
    row = jnp.concatenate([row, tail], axis=1)
    col = jnp.concatenate([col, tail], axis=1)

    pad_rows = jnp.zeros((N_PAD - N_NODES, OUT), jnp.float32)
    h0_pad = jnp.concatenate([hidden, pad_rows])
    skip_pad = jnp.concatenate([skip, pad_rows])
    h0_halves = h0_pad.reshape(N_PAD, NC, FH).transpose(1, 0, 2)
    skip_halves = skip_pad.reshape(N_PAD, NC, FH).transpose(1, 0, 2)

    mesh = plsc.VectorSubcoreMesh(core_axis_name="c", subcore_axis_name="s")

    sc_call = pl.kernel(
        _sc_body,
        out_type=jax.ShapeDtypeStruct((NC, N_PAD, FH), jnp.float32),
        mesh=mesh,
        compiler_params=pltpu.CompilerParams(use_tc_tiling_on_sc=False),
        scratch_types=(
            [pltpu.VMEM((N_CHUNK_A, C_EDGE), jnp.int32)]
            + [pltpu.VMEM((C_EDGE,), jnp.int32)] * 3
            + [pltpu.VMEM((C_EDGE, FH), jnp.float32)] * 3
            + [pltpu.VMEM((C_EDGE, FH), jnp.float32)]
            + [pltpu.VMEM((NPT, FH), jnp.float32)] * 2
            + [pltpu.VMEM((NPT, LANES), jnp.float32)]
            + [pltpu.SemaphoreType.DMA] * 10
            + [pltpu.VMEM_SHARED((N_PAD, FH), jnp.float32)] * 2
        ),
    )

    out_halves = sc_call(h0_halves, skip_halves, row, col)
    out_pad = out_halves.transpose(1, 0, 2).reshape(N_PAD, OUT)
    return out_pad[:N_NODES]

# --- scband reference (transcript-rebuilt; emitter-appended) ---
"""Pipeline reference for scband-appnpnet-66288525247253 (READ-ONLY COPY).

The authoritative reference and input builder live on the scoring server;
editing this copy changes nothing except your own understanding.
"""

import jax, jax.numpy as jnp
import numpy as np

N = 10000
E = 320000
IN_CH = 128
HID = 64
OUT = 64
K_HOPS = 10
ALPHA = 0.1


def setup_inputs(seed: int = 0) -> dict:
    key = jax.random.key(seed)
    k1, k2, k3, k4, k5 = jax.random.split(key, 5)
    x_clean = jax.random.normal(k1, (N, IN_CH), dtype=jnp.float32)
    x_noised = jax.random.normal(k2, (N, IN_CH), dtype=jnp.float32)
    edge_index = jax.random.randint(k3, (2, E), 0, N, dtype=jnp.int32)
    # Linear weights (PyTorch convention: [out_features, in_features], no bias)
    W1 = jax.random.normal(k4, (HID, IN_CH), dtype=jnp.float32) * (1.0 / np.sqrt(IN_CH))
    W2 = jax.random.normal(k5, (OUT, HID), dtype=jnp.float32) * (1.0 / np.sqrt(HID))
    return {"x_clean": x_clean, "x_noised": x_noised, "edge_index": edge_index, "W1": W1, "W2": W2}


def _appnp_prop(h, edge_index, k_hops, alpha):
    # APPNP with GCN symmetric normalization + self loops:
    # h_{t+1} = (1-alpha) * D^{-1/2} A_hat D^{-1/2} h_t + alpha * h_0
    row = edge_index[0]
    col = edge_index[1]
    loop = jnp.arange(N, dtype=row.dtype)
    row = jnp.concatenate([row, loop])
    col = jnp.concatenate([col, loop])
    ones = jnp.ones(row.shape[0], dtype=h.dtype)
    deg = jax.ops.segment_sum(ones, row, num_segments=N)
    dinv_sqrt = jnp.where(deg > 0, jax.lax.rsqrt(jnp.maximum(deg, 1e-12)), 0.0)
    norm = dinv_sqrt[row] * dinv_sqrt[col]
    h0 = h
    for _ in range(k_hops):
        msg = h[col] * norm[:, None]              # gather + scale
        agg = jax.ops.segment_sum(msg, row, num_segments=N)  # scatter-add
        h = (1.0 - alpha) * agg + alpha * h0
    return h


def reference(x_clean, x_noised, edge_index, W1, W2):
    # with_skip=True branch; dropout p=0.0 / eval mode -> identity
    hidden_skip = jnp.maximum(x_clean @ W1.T, 0.0)
    skip = hidden_skip @ W2.T
    hidden = jnp.maximum(x_noised @ W1.T, 0.0)
    hidden = hidden @ W2.T
    hidden = _appnp_prop(hidden, edge_index, K_HOPS, ALPHA)
    return hidden + skip

if __name__ == "__main__":
    import jax
    _d = setup_inputs()
    print(jax.jit(kernel)(*tuple(_d.values())))

</pallas_src>

<mosaic_0001>
#map = affine_map<(d0, d1) -> (0, 0, 0)>
module attributes {stable_mosaic.version = 14 : i64} {
  func.func @_sc_body(%arg0: i32, %arg1: i32, %arg2: memref<2x10240x32xf32, #tpu.memory_space<hbm>>, %arg3: memref<2x10240x32xf32, #tpu.memory_space<hbm>>, %arg4: memref<16x165x128xi32, #tpu.memory_space<hbm>>, %arg5: memref<16x165x128xi32, #tpu.memory_space<hbm>>, %arg6: memref<2x10240x32xf32, #tpu.memory_space<hbm>>, %arg7: memref<165x128xi32, #tpu.memory_space<vmem>>, %arg8: memref<128xi32, #tpu.memory_space<vmem>>, %arg9: memref<128xi32, #tpu.memory_space<vmem>>, %arg10: memref<128xi32, #tpu.memory_space<vmem>>, %arg11: memref<128x32xf32, #tpu.memory_space<vmem>>, %arg12: memref<128x32xf32, #tpu.memory_space<vmem>>, %arg13: memref<128x32xf32, #tpu.memory_space<vmem>>, %arg14: memref<128x32xf32, #tpu.memory_space<vmem>>, %arg15: memref<640x32xf32, #tpu.memory_space<vmem>>, %arg16: memref<640x32xf32, #tpu.memory_space<vmem>>, %arg17: memref<640x16xf32, #tpu.memory_space<vmem>>, %arg18: memref<!tpu.dma_semaphore, #tpu.memory_space<semaphore_mem>>, %arg19: memref<!tpu.dma_semaphore, #tpu.memory_space<semaphore_mem>>, %arg20: memref<!tpu.dma_semaphore, #tpu.memory_space<semaphore_mem>>, %arg21: memref<!tpu.dma_semaphore, #tpu.memory_space<semaphore_mem>>, %arg22: memref<!tpu.dma_semaphore, #tpu.memory_space<semaphore_mem>>, %arg23: memref<!tpu.dma_semaphore, #tpu.memory_space<semaphore_mem>>, %arg24: memref<!tpu.dma_semaphore, #tpu.memory_space<semaphore_mem>>, %arg25: memref<!tpu.dma_semaphore, #tpu.memory_space<semaphore_mem>>, %arg26: memref<!tpu.dma_semaphore, #tpu.memory_space<semaphore_mem>>, %arg27: memref<!tpu.dma_semaphore, #tpu.memory_space<semaphore_mem>>, %arg28: memref<10240x32xf32, #tpu.memory_space<vmem_shared>>, %arg29: memref<10240x32xf32, #tpu.memory_space<vmem_shared>>) attributes {dimension_semantics = [#tpu.dimension_semantics<core_parallel>, #tpu.dimension_semantics<subcore_parallel>], iteration_bounds = array<i64: 2, 16>, scalar_prefetch = 0 : i64, scratch_operands = 23 : i64, tpu.core_type = #tpu.core_type<sc_vector_subcore>, window_params = [{transform_indices = #map}, {transform_indices = #map}, {transform_indices = #map}, {transform_indices = #map}, {transform_indices = #map}]} {
    %mul3A = arith.constant 640 : i32
    %mul3A_0 = arith.muli %arg1, %mul3A : i32
    "tpu.region"() ({
      %run_scoped3A = tpu.sem_alloc : memref<!tpu.dma_semaphore, #tpu.memory_space<semaphore_mem>>
      %dma_start3A_92 = arith.constant 0 : i32
      %dma_start3A_93 = arith.constant 0 : i32
      %dma_start3A_94 = tpu.memref_slice %arg5[%arg1, %dma_start3A_92, %dma_start3A_93] : memref<16x165x128xi32, #tpu.memory_space<hbm>> -> memref<1x165x128xi32, #tpu.memory_space<hbm>>
      %dma_start3A_95 = tpu.memref_squeeze %dma_start3A_94 : memref<1x165x128xi32, #tpu.memory_space<hbm>> -> memref<165x128xi32, #tpu.memory_space<hbm>>
      %dma_start3A_96 = arith.constant 0 : i32
      %dma_start3A_97 = arith.constant 0 : i32
      %dma_start3A_98 = tpu.memref_slice %arg5[%arg1, %dma_start3A_96, %dma_start3A_97] : memref<16x165x128xi32, #tpu.memory_space<hbm>> -> memref<1x165x128xi32, #tpu.memory_space<hbm>>
      %dma_start3A_99 = tpu.memref_squeeze %dma_start3A_98 : memref<1x165x128xi32, #tpu.memory_space<hbm>> -> memref<165x128xi32, #tpu.memory_space<hbm>>
      tpu.enqueue_dma source(%dma_start3A_99 : memref<165x128xi32, #tpu.memory_space<hbm>>) target(%arg7 : memref<165x128xi32, #tpu.memory_space<vmem>>) target_semaphore(%run_scoped3A : memref<!tpu.dma_semaphore, #tpu.memory_space<semaphore_mem>>)
      %dma_wait3A_100 = arith.constant 0 : i32
      %dma_wait3A_101 = arith.constant 0 : i32
      %dma_wait3A_102 = tpu.memref_slice %arg5[%arg1, %dma_wait3A_100, %dma_wait3A_101] : memref<16x165x128xi32, #tpu.memory_space<hbm>> -> memref<1x165x128xi32, #tpu.memory_space<hbm>>
      %dma_wait3A_103 = tpu.memref_squeeze %dma_wait3A_102 : memref<1x165x128xi32, #tpu.memory_space<hbm>> -> memref<165x128xi32, #tpu.memory_space<hbm>>
      %dma_wait3A_104 = arith.constant 0 : i32
      %dma_wait3A_105 = arith.constant 0 : i32
      %dma_wait3A_106 = tpu.memref_slice %arg5[%arg1, %dma_wait3A_104, %dma_wait3A_105] : memref<16x165x128xi32, #tpu.memory_space<hbm>> -> memref<1x165x128xi32, #tpu.memory_space<hbm>>
      %dma_wait3A_107 = tpu.memref_squeeze %dma_wait3A_106 : memref<1x165x128xi32, #tpu.memory_space<hbm>> -> memref<165x128xi32, #tpu.memory_space<hbm>>
      tpu.wait_dma2 semaphore(%run_scoped3A : memref<!tpu.dma_semaphore, #tpu.memory_space<semaphore_mem>>) src(%dma_wait3A_107 : memref<165x128xi32, #tpu.memory_space<hbm>>) dst(%arg7 : memref<165x128xi32, #tpu.memory_space<vmem>>)
      tpu.yield
    }) : () -> ()
    %broadcast_in_dim3A = arith.constant 1.000000e+00 : f32
    %broadcast_in_dim3A_1 = vector.broadcast %broadcast_in_dim3A : f32 to vector<16xf32>
    %broadcast_in_dim3A_2 = arith.constant 0.000000e+00 : f32
    %broadcast_in_dim3A_3 = vector.broadcast %broadcast_in_dim3A_2 : f32 to vector<16xf32>
    %scan3A = arith.constant 0 : i32
    %scan3A_4 = arith.constant 0 : i32
    %scan3A_5 = arith.constant 128 : i32
    %scan3A_6 = arith.addi %scan3A_4, %scan3A_5 : i32
    %scan3A_7 = arith.constant 1 : i32
    %scan3A_8 = scf.for %scan3A_92 = %scan3A_4 to %scan3A_6 step %scan3A_7 iter_args(%scan3A_93 = %scan3A) -> (i32)  : i32 {
      %swap3A = arith.index_cast %scan3A_92 : i32 to index
      %swap3A_94 = arith.constant 0 : index
      %swap3A_95 = tpu.vector_load %arg11[%swap3A, %swap3A_94] {strides = array<i32>} : memref<128x32xf32, #tpu.memory_space<vmem>>, vector<1x16xf32>,
      %swap3A_96 = vector.shape_cast %swap3A_95 : vector<1x16xf32> to vector<16xf32>
      %swap3A_97 = vector.shape_cast %broadcast_in_dim3A_1 : vector<16xf32> to vector<1x16xf32>
      tpu.vector_store %arg11[%swap3A, %swap3A_94], %swap3A_97 {strides = array<i32>} : memref<128x32xf32, #tpu.memory_space<vmem>>, vector<1x16xf32>,
      %swap3A_98 = arith.index_cast %scan3A_92 : i32 to index
      %swap3A_99 = arith.constant 16 : index
      %swap3A_100 = tpu.vector_load %arg11[%swap3A_98, %swap3A_99] {strides = array<i32>} : memref<128x32xf32, #tpu.memory_space<vmem>>, vector<1x16xf32>,
      %swap3A_101 = vector.shape_cast %swap3A_100 : vector<1x16xf32> to vector<16xf32>
      %swap3A_102 = vector.shape_cast %broadcast_in_dim3A_1 : vector<16xf32> to vector<1x16xf32>
      tpu.vector_store %arg11[%swap3A_98, %swap3A_99], %swap3A_102 {strides = array<i32>} : memref<128x32xf32, #tpu.memory_space<vmem>>, vector<1x16xf32>,
      %swap3A_103 = arith.index_cast %scan3A_92 : i32 to index
      %swap3A_104 = arith.constant 0 : index
      %swap3A_105 = tpu.vector_load %arg14[%swap3A_103, %swap3A_104] {strides = array<i32>} : memref<128x32xf32, #tpu.memory_space<vmem>>, vector<1x16xf32>,
      %swap3A_106 = vector.shape_cast %swap3A_105 : vector<1x16xf32> to vector<16xf32>
      %swap3A_107 = vector.shape_cast %broadcast_in_dim3A_3 : vector<16xf32> to vector<1x16xf32>
      tpu.vector_store %arg14[%swap3A_103, %swap3A_104], %swap3A_107 {strides = array<i32>} : memref<128x32xf32, #tpu.memory_space<vmem>>, vector<1x16xf32>,
      %swap3A_108 = arith.index_cast %scan3A_92 : i32 to index
      %swap3A_109 = arith.constant 16 : index
      %swap3A_110 = tpu.vector_load %arg14[%swap3A_108, %swap3A_109] {strides = array<i32>} : memref<128x32xf32, #tpu.memory_space<vmem>>, vector<1x16xf32>,
      %swap3A_111 = vector.shape_cast %swap3A_110 : vector<1x16xf32> to vector<16xf32>
      %swap3A_112 = vector.shape_cast %broadcast_in_dim3A_3 : vector<16xf32> to vector<1x16xf32>
      tpu.vector_store %arg14[%swap3A_108, %swap3A_109], %swap3A_112 {strides = array<i32>} : memref<128x32xf32, #tpu.memory_space<vmem>>, vector<1x16xf32>,
      %scan3A_113 = arith.constant 0 : i32
      scf.yield %scan3A_113 : i32
    }
    %scan3A_9 = arith.constant 128 : i32
    %add3A = arith.constant 0 : i32
    %add3A_10 = arith.addi %mul3A_0, %add3A : i32
    "tpu.region"() ({
      %run_scoped3A = tpu.sem_alloc : memref<!tpu.dma_semaphore, #tpu.memory_space<semaphore_mem>>
      %dma_start3A_92 = arith.constant 0 : i32
      %dma_start3A_93 = tpu.memref_slice %arg28[%add3A_10, %dma_start3A_92] : memref<10240x32xf32, #tpu.memory_space<vmem_shared>> -> memref<128x32xf32, #tpu.memory_space<vmem_shared>>
      %dma_start3A_94 = arith.constant 0 : i32
      %dma_start3A_95 = tpu.memref_slice %arg28[%add3A_10, %dma_start3A_94] : memref<10240x32xf32, #tpu.memory_space<vmem_shared>> -> memref<128x32xf32, #tpu.memory_space<vmem_shared>>
      tpu.enqueue_dma source(%arg14 : memref<128x32xf32, #tpu.memory_space<vmem>>) target(%dma_start3A_95 : memref<128x32xf32, #tpu.memory_space<vmem_shared>>) target_semaphore(%run_scoped3A : memref<!tpu.dma_semaphore, #tpu.memory_space<semaphore_mem>>)
      %dma_wait3A_96 = arith.constant 0 : i32
      %dma_wait3A_97 = tpu.memref_slice %arg28[%add3A_10, %dma_wait3A_96] : memref<10240x32xf32, #tpu.memory_space<vmem_shared>> -> memref<128x32xf32, #tpu.memory_space<vmem_shared>>
      %dma_wait3A_98 = arith.constant 0 : i32
      %dma_wait3A_99 = tpu.memref_slice %arg28[%add3A_10, %dma_wait3A_98] : memref<10240x32xf32, #tpu.memory_space<vmem_shared>> -> memref<128x32xf32, #tpu.memory_space<vmem_shared>>
      tpu.wait_dma2 semaphore(%run_scoped3A : memref<!tpu.dma_semaphore, #tpu.memory_space<semaphore_mem>>) src(%arg14 : memref<128x32xf32, #tpu.memory_space<vmem>>) dst(%dma_wait3A_99 : memref<128x32xf32, #tpu.memory_space<vmem_shared>>)
      tpu.yield
    }) : () -> ()
    %add3A_11 = arith.constant 128 : i32
    %add3A_12 = arith.addi %mul3A_0, %add3A_11 : i32
    "tpu.region"() ({
      %run_scoped3A = tpu.sem_alloc : memref<!tpu.dma_semaphore, #tpu.memory_space<semaphore_mem>>
      %dma_start3A_92 = arith.constant 0 : i32
      %dma_start3A_93 = tpu.memref_slice %arg28[%add3A_12, %dma_start3A_92] : memref<10240x32xf32, #tpu.memory_space<vmem_shared>> -> memref<128x32xf32, #tpu.memory_space<vmem_shared>>
      %dma_start3A_94 = arith.constant 0 : i32
      %dma_start3A_95 = tpu.memref_slice %arg28[%add3A_12, %dma_start3A_94] : memref<10240x32xf32, #tpu.memory_space<vmem_shared>> -> memref<128x32xf32, #tpu.memory_space<vmem_shared>>
      tpu.enqueue_dma source(%arg14 : memref<128x32xf32, #tpu.memory_space<vmem>>) target(%dma_start3A_95 : memref<128x32xf32, #tpu.memory_space<vmem_shared>>) target_semaphore(%run_scoped3A : memref<!tpu.dma_semaphore, #tpu.memory_space<semaphore_mem>>)
      %dma_wait3A_96 = arith.constant 0 : i32
      %dma_wait3A_97 = tpu.memref_slice %arg28[%add3A_12, %dma_wait3A_96] : memref<10240x32xf32, #tpu.memory_space<vmem_shared>> -> memref<128x32xf32, #tpu.memory_space<vmem_shared>>
      %dma_wait3A_98 = arith.constant 0 : i32
      %dma_wait3A_99 = tpu.memref_slice %arg28[%add3A_12, %dma_wait3A_98] : memref<10240x32xf32, #tpu.memory_space<vmem_shared>> -> memref<128x32xf32, #tpu.memory_space<vmem_shared>>
      tpu.wait_dma2 semaphore(%run_scoped3A : memref<!tpu.dma_semaphore, #tpu.memory_space<semaphore_mem>>) src(%arg14 : memref<128x32xf32, #tpu.memory_space<vmem>>) dst(%dma_wait3A_99 : memref<128x32xf32, #tpu.memory_space<vmem_shared>>)
      tpu.yield
    }) : () -> ()
    %add3A_13 = arith.constant 256 : i32
    %add3A_14 = arith.addi %mul3A_0, %add3A_13 : i32
    "tpu.region"() ({
      %run_scoped3A = tpu.sem_alloc : memref<!tpu.dma_semaphore, #tpu.memory_space<semaphore_mem>>
      %dma_start3A_92 = arith.constant 0 : i32
      %dma_start3A_93 = tpu.memref_slice %arg28[%add3A_14, %dma_start3A_92] : memref<10240x32xf32, #tpu.memory_space<vmem_shared>> -> memref<128x32xf32, #tpu.memory_space<vmem_shared>>
      %dma_start3A_94 = arith.constant 0 : i32
      %dma_start3A_95 = tpu.memref_slice %arg28[%add3A_14, %dma_start3A_94] : memref<10240x32xf32, #tpu.memory_space<vmem_shared>> -> memref<128x32xf32, #tpu.memory_space<vmem_shared>>
      tpu.enqueue_dma source(%arg14 : memref<128x32xf32, #tpu.memory_space<vmem>>) target(%dma_start3A_95 : memref<128x32xf32, #tpu.memory_space<vmem_shared>>) target_semaphore(%run_scoped3A : memref<!tpu.dma_semaphore, #tpu.memory_space<semaphore_mem>>)
      %dma_wait3A_96 = arith.constant 0 : i32
      %dma_wait3A_97 = tpu.memref_slice %arg28[%add3A_14, %dma_wait3A_96] : memref<10240x32xf32, #tpu.memory_space<vmem_shared>> -> memref<128x32xf32, #tpu.memory_space<vmem_shared>>
      %dma_wait3A_98 = arith.constant 0 : i32
      %dma_wait3A_99 = tpu.memref_slice %arg28[%add3A_14, %dma_wait3A_98] : memref<10240x32xf32, #tpu.memory_space<vmem_shared>> -> memref<128x32xf32, #tpu.memory_space<vmem_shared>>
      tpu.wait_dma2 semaphore(%run_scoped3A : memref<!tpu.dma_semaphore, #tpu.memory_space<semaphore_mem>>) src(%arg14 : memref<128x32xf32, #tpu.memory_space<vmem>>) dst(%dma_wait3A_99 : memref<128x32xf32, #tpu.memory_space<vmem_shared>>)
      tpu.yield
    }) : () -> ()
    %add3A_15 = arith.constant 384 : i32
    %add3A_16 = arith.addi %mul3A_0, %add3A_15 : i32
    "tpu.region"() ({
      %run_scoped3A = tpu.sem_alloc : memref<!tpu.dma_semaphore, #tpu.memory_space<semaphore_mem>>
      %dma_start3A_92 = arith.constant 0 : i32
      %dma_start3A_93 = tpu.memref_slice %arg28[%add3A_16, %dma_start3A_92] : memref<10240x32xf32, #tpu.memory_space<vmem_shared>> -> memref<128x32xf32, #tpu.memory_space<vmem_shared>>
      %dma_start3A_94 = arith.constant 0 : i32
      %dma_start3A_95 = tpu.memref_slice %arg28[%add3A_16, %dma_start3A_94] : memref<10240x32xf32, #tpu.memory_space<vmem_shared>> -> memref<128x32xf32, #tpu.memory_space<vmem_shared>>
      tpu.enqueue_dma source(%arg14 : memref<128x32xf32, #tpu.memory_space<vmem>>) target(%dma_start3A_95 : memref<128x32xf32, #tpu.memory_space<vmem_shared>>) target_semaphore(%run_scoped3A : memref<!tpu.dma_semaphore, #tpu.memory_space<semaphore_mem>>)
      %dma_wait3A_96 = arith.constant 0 : i32
      %dma_wait3A_97 = tpu.memref_slice %arg28[%add3A_16, %dma_wait3A_96] : memref<10240x32xf32, #tpu.memory_space<vmem_shared>> -> memref<128x32xf32, #tpu.memory_space<vmem_shared>>
      %dma_wait3A_98 = arith.constant 0 : i32
      %dma_wait3A_99 = tpu.memref_slice %arg28[%add3A_16, %dma_wait3A_98] : memref<10240x32xf32, #tpu.memory_space<vmem_shared>> -> memref<128x32xf32, #tpu.memory_space<vmem_shared>>
      tpu.wait_dma2 semaphore(%run_scoped3A : memref<!tpu.dma_semaphore, #tpu.memory_space<semaphore_mem>>) src(%arg14 : memref<128x32xf32, #tpu.memory_space<vmem>>) dst(%dma_wait3A_99 : memref<128x32xf32, #tpu.memory_space<vmem_shared>>)
      tpu.yield
    }) : () -> ()
    %add3A_17 = arith.constant 512 : i32
    %add3A_18 = arith.addi %mul3A_0, %add3A_17 : i32
    "tpu.region"() ({
      %run_scoped3A = tpu.sem_alloc : memref<!tpu.dma_semaphore, #tpu.memory_space<semaphore_mem>>
      %dma_start3A_92 = arith.constant 0 : i32
      %dma_start3A_93 = tpu.memref_slice %arg28[%add3A_18, %dma_start3A_92] : memref<10240x32xf32, #tpu.memory_space<vmem_shared>> -> memref<128x32xf32, #tpu.memory_space<vmem_shared>>
      %dma_start3A_94 = arith.constant 0 : i32
      %dma_start3A_95 = tpu.memref_slice %arg28[%add3A_18, %dma_start3A_94] : memref<10240x32xf32, #tpu.memory_space<vmem_shared>> -> memref<128x32xf32, #tpu.memory_space<vmem_shared>>
      tpu.enqueue_dma source(%arg14 : memref<128x32xf32, #tpu.memory_space<vmem>>) target(%dma_start3A_95 : memref<128x32xf32, #tpu.memory_space<vmem_shared>>) target_semaphore(%run_scoped3A : memref<!tpu.dma_semaphore, #tpu.memory_space<semaphore_mem>>)
      %dma_wait3A_96 = arith.constant 0 : i32
      %dma_wait3A_97 = tpu.memref_slice %arg28[%add3A_18, %dma_wait3A_96] : memref<10240x32xf32, #tpu.memory_space<vmem_shared>> -> memref<128x32xf32, #tpu.memory_space<vmem_shared>>
      %dma_wait3A_98 = arith.constant 0 : i32
      %dma_wait3A_99 = tpu.memref_slice %arg28[%add3A_18, %dma_wait3A_98] : memref<10240x32xf32, #tpu.memory_space<vmem_shared>> -> memref<128x32xf32, #tpu.memory_space<vmem_shared>>
      tpu.wait_dma2 semaphore(%run_scoped3A : memref<!tpu.dma_semaphore, #tpu.memory_space<semaphore_mem>>) src(%arg14 : memref<128x32xf32, #tpu.memory_space<vmem>>) dst(%dma_wait3A_99 : memref<128x32xf32, #tpu.memory_space<vmem_shared>>)
      tpu.yield
    }) : () -> ()
    %barrier3A = arith.constant 0 : index
    tpu.barrier barrier_id(%barrier3A)
    %dma_start3A = arith.constant 0 : i32
    %dma_start3A_19 = arith.constant 0 : i32
    %dma_start3A_20 = tpu.memref_slice %arg4[%arg1, %dma_start3A, %dma_start3A_19] : memref<16x165x128xi32, #tpu.memory_space<hbm>> -> memref<1x1x128xi32, #tpu.memory_space<hbm>>
    %dma_start3A_21 = tpu.memref_squeeze %dma_start3A_20 : memref<1x1x128xi32, #tpu.memory_space<hbm>> -> memref<128xi32, #tpu.memory_space<hbm>>
    %dma_start3A_22 = arith.constant 0 : i32
    %dma_start3A_23 = tpu.memref_slice %arg4[%arg1, %dma_start3A, %dma_start3A_22] : memref<16x165x128xi32, #tpu.memory_space<hbm>> -> memref<1x1x128xi32, #tpu.memory_space<hbm>>
    %dma_start3A_24 = tpu.memref_squeeze %dma_start3A_23 : memref<1x1x128xi32, #tpu.memory_space<hbm>> -> memref<128xi32, #tpu.memory_space<hbm>>
    tpu.enqueue_dma source(%dma_start3A_24 : memref<128xi32, #tpu.memory_space<hbm>>) target(%arg8 : memref<128xi32, #tpu.memory_space<vmem>>) target_semaphore(%arg24 : memref<!tpu.dma_semaphore, #tpu.memory_space<semaphore_mem>>)
    %dma_start3A_25 = arith.constant 1 : i32
    %dma_start3A_26 = arith.constant 0 : i32
    %dma_start3A_27 = tpu.memref_slice %arg4[%arg1, %dma_start3A_25, %dma_start3A_26] : memref<16x165x128xi32, #tpu.memory_space<hbm>> -> memref<1x1x128xi32, #tpu.memory_space<hbm>>
    %dma_start3A_28 = tpu.memref_squeeze %dma_start3A_27 : memref<1x1x128xi32, #tpu.memory_space<hbm>> -> memref<128xi32, #tpu.memory_space<hbm>>
    %dma_start3A_29 = arith.constant 0 : i32
    %dma_start3A_30 = tpu.memref_slice %arg4[%arg1, %dma_start3A_25, %dma_start3A_29] : memref<16x165x128xi32, #tpu.memory_space<hbm>> -> memref<1x1x128xi32, #tpu.memory_space<hbm>>
    %dma_start3A_31 = tpu.memref_squeeze %dma_start3A_30 : memref<1x1x128xi32, #tpu.memory_space<hbm>> -> memref<128xi32, #tpu.memory_space<hbm>>
    tpu.enqueue_dma source(%dma_start3A_31 : memref<128xi32, #tpu.memory_space<hbm>>) target(%arg9 : memref<128xi32, #tpu.memory_space<vmem>>) target_semaphore(%arg25 : memref<!tpu.dma_semaphore, #tpu.memory_space<semaphore_mem>>)
    %dma_start3A_32 = arith.constant 2 : i32
    %dma_start3A_33 = arith.constant 0 : i32
    %dma_start3A_34 = tpu.memref_slice %arg4[%arg1, %dma_start3A_32, %dma_start3A_33] : memref<16x165x128xi32, #tpu.memory_space<hbm>> -> memref<1x1x128xi32, #tpu.memory_space<hbm>>
    %dma_start3A_35 = tpu.memref_squeeze %dma_start3A_34 : memref<1x1x128xi32, #tpu.memory_space<hbm>> -> memref<128xi32, #tpu.memory_space<hbm>>
    %dma_start3A_36 = arith.constant 0 : i32
    %dma_start3A_37 = tpu.memref_slice %arg4[%arg1, %dma_start3A_32, %dma_start3A_36] : memref<16x165x128xi32, #tpu.memory_space<hbm>> -> memref<1x1x128xi32, #tpu.memory_space<hbm>>
    %dma_start3A_38 = tpu.memref_squeeze %dma_start3A_37 : memref<1x1x128xi32, #tpu.memory_space<hbm>> -> memref<128xi32, #tpu.memory_space<hbm>>
    tpu.enqueue_dma source(%dma_start3A_38 : memref<128xi32, #tpu.memory_space<hbm>>) target(%arg10 : memref<128xi32, #tpu.memory_space<vmem>>) target_semaphore(%arg26 : memref<!tpu.dma_semaphore, #tpu.memory_space<semaphore_mem>>)
    %scan3A_39 = arith.constant 0 : i32
    %scan3A_40 = arith.constant 0 : i32
    %scan3A_41 = arith.constant 54 : i32
    %scan3A_42 = arith.addi %scan3A_40, %scan3A_41 : i32
    %scan3A_43 = arith.constant 1 : i32
    %scan3A_44 = scf.for %scan3A_92 = %scan3A_40 to %scan3A_42 step %scan3A_43 iter_args(%scan3A_93 = %scan3A_39) -> (i32)  : i32 {
      %mul3A_94 = arith.constant 3 : i32
      %mul3A_95 = arith.muli %scan3A_92, %mul3A_94 : i32
      %dma_wait3A_96 = arith.constant 0 : i32
      %dma_wait3A_97 = arith.constant 0 : i32
      %dma_wait3A_98 = tpu.memref_slice %arg4[%arg1, %dma_wait3A_96, %dma_wait3A_97] : memref<16x165x128xi32, #tpu.memory_space<hbm>> -> memref<1x1x128xi32, #tpu.memory_space<hbm>>
      %dma_wait3A_99 = tpu.memref_squeeze %dma_wait3A_98 : memref<1x1x128xi32, #tpu.memory_space<hbm>> -> memref<128xi32, #tpu.memory_space<hbm>>
      %dma_wait3A_100 = arith.constant 0 : i32
      %dma_wait3A_101 = tpu.memref_slice %arg4[%arg1, %dma_wait3A_96, %dma_wait3A_100] : memref<16x165x128xi32, #tpu.memory_space<hbm>> -> memref<1x1x128xi32, #tpu.memory_space<hbm>>
      %dma_wait3A_102 = tpu.memref_squeeze %dma_wait3A_101 : memref<1x1x128xi32, #tpu.memory_space<hbm>> -> memref<128xi32, #tpu.memory_space<hbm>>
      tpu.wait_dma2 semaphore(%arg24 : memref<!tpu.dma_semaphore, #tpu.memory_space<semaphore_mem>>) src(%dma_wait3A_102 : memref<128xi32, #tpu.memory_space<hbm>>) dst(%arg8 : memref<128xi32, #tpu.memory_space<vmem>>)
      %dma_start3A_103 = arith.constant 0 : i32
      %dma_start3A_104 = arith.constant 0 : i32
      %dma_start3A_105 = tpu.memref_slice %arg28[%dma_start3A_103, %dma_start3A_104] : memref<10240x32xf32, #tpu.memory_space<vmem_shared>> -> memref<10240x32xf32, #tpu.memory_space<vmem_shared>>
      tpu.enqueue_indirect_dma source(%arg11 : memref<128x32xf32, #tpu.memory_space<vmem>>) target(%dma_start3A_105 : memref<10240x32xf32, #tpu.memory_space<vmem_shared>>) offsets(%arg8 : memref<128xi32, #tpu.memory_space<vmem>>) semaphore(%arg21 : memref<!tpu.dma_semaphore, #tpu.memory_space<semaphore_mem>>) {add = true}
      %dma_wait3A_106 = arith.constant 0 : i32
      %dma_wait3A_107 = arith.constant 0 : i32
      %dma_wait3A_108 = tpu.memref_slice %arg4[%arg1, %dma_wait3A_106, %dma_wait3A_107] : memref<16x165x128xi32, #tpu.memory_space<hbm>> -> memref<1x1x128xi32, #tpu.memory_space<hbm>>
      %dma_wait3A_109 = tpu.memref_squeeze %dma_wait3A_108 : memref<1x1x128xi32, #tpu.memory_space<hbm>> -> memref<128xi32, #tpu.memory_space<hbm>>
      %dma_wait3A_110 = arith.constant 0 : i32
      %dma_wait3A_111 = tpu.memref_slice %arg4[%arg1, %dma_wait3A_106, %dma_wait3A_110] : memref<16x165x128xi32, #tpu.memory_space<hbm>> -> memref<1x1x128xi32, #tpu.memory_space<hbm>>
      %dma_wait3A_112 = tpu.memref_squeeze %dma_wait3A_111 : memref<1x1x128xi32, #tpu.memory_space<hbm>> -> memref<128xi32, #tpu.memory_space<hbm>>
      tpu.wait_dma2 semaphore(%arg25 : memref<!tpu.dma_semaphore, #tpu.memory_space<semaphore_mem>>) src(%dma_wait3A_112 : memref<128xi32, #tpu.memory_space<hbm>>) dst(%arg9 : memref<128xi32, #tpu.memory_space<vmem>>)
      %dma_start3A_113 = arith.constant 0 : i32
      %dma_start3A_114 = arith.constant 0 : i32
      %dma_start3A_115 = tpu.memref_slice %arg28[%dma_start3A_113, %dma_start3A_114] : memref<10240x32xf32, #tpu.memory_space<vmem_shared>> -> memref<10240x32xf32, #tpu.memory_space<vmem_shared>>
      tpu.enqueue_indirect_dma source(%arg11 : memref<128x32xf32, #tpu.memory_space<vmem>>) target(%dma_start3A_115 : memref<10240x32xf32, #tpu.memory_space<vmem_shared>>) offsets(%arg9 : memref<128xi32, #tpu.memory_space<vmem>>) semaphore(%arg22 : memref<!tpu.dma_semaphore, #tpu.memory_space<semaphore_mem>>) {add = true}
      %dma_wait3A_116 = arith.constant 0 : i32
      %dma_wait3A_117 = arith.constant 0 : i32
      %dma_wait3A_118 = tpu.memref_slice %arg4[%arg1, %dma_wait3A_116, %dma_wait3A_117] : memref<16x165x128xi32, #tpu.memory_space<hbm>> -> memref<1x1x128xi32, #tpu.memory_space<hbm>>
      %dma_wait3A_119 = tpu.memref_squeeze %dma_wait3A_118 : memref<1x1x128xi32, #tpu.memory_space<hbm>> -> memref<128xi32, #tpu.memory_space<hbm>>
      %dma_wait3A_120 = arith.constant 0 : i32
      %dma_wait3A_121 = tpu.memref_slice %arg4[%arg1, %dma_wait3A_116, %dma_wait3A_120] : memref<16x165x128xi32, #tpu.memory_space<hbm>> -> memref<1x1x128xi32, #tpu.memory_space<hbm>>
      %dma_wait3A_122 = tpu.memref_squeeze %dma_wait3A_121 : memref<1x1x128xi32, #tpu.memory_space<hbm>> -> memref<128xi32, #tpu.memory_space<hbm>>
      tpu.wait_dma2 semaphore(%arg26 : memref<!tpu.dma_semaphore, #tpu.memory_space<semaphore_mem>>) src(%dma_wait3A_122 : memref<128xi32, #tpu.memory_space<hbm>>) dst(%arg10 : memref<128xi32, #tpu.memory_space<vmem>>)
      %dma_start3A_123 = arith.constant 0 : i32
      %dma_start3A_124 = arith.constant 0 : i32
      %dma_start3A_125 = tpu.memref_slice %arg28[%dma_start3A_123, %dma_start3A_124] : memref<10240x32xf32, #tpu.memory_space<vmem_shared>> -> memref<10240x32xf32, #tpu.memory_space<vmem_shared>>
      tpu.enqueue_indirect_dma source(%arg11 : memref<128x32xf32, #tpu.memory_space<vmem>>) target(%dma_start3A_125 : memref<10240x32xf32, #tpu.memory_space<vmem_shared>>) offsets(%arg10 : memref<128xi32, #tpu.memory_space<vmem>>) semaphore(%arg23 : memref<!tpu.dma_semaphore, #tpu.memory_space<semaphore_mem>>) {add = true}
      %dma_wait3A_126 = arith.constant 0 : i32
      %dma_wait3A_127 = arith.constant 0 : i32
      %dma_wait3A_128 = tpu.memref_slice %arg28[%dma_wait3A_126, %dma_wait3A_127] : memref<10240x32xf32, #tpu.memory_space<vmem_shared>> -> memref<10240x32xf32, #tpu.memory_space<vmem_shared>>
      tpu.wait_indirect_dma semaphore(%arg21 : memref<!tpu.dma_semaphore, #tpu.memory_space<semaphore_mem>>) src(%arg11 : memref<128x32xf32, #tpu.memory_space<vmem>>) dst(%dma_wait3A_128 : memref<10240x32xf32, #tpu.memory_space<vmem_shared>>)
      %add3A_129 = arith.constant 0 : i32
      %add3A_130 = arith.addi %mul3A_95, %add3A_129 : i32
      %add3A_131 = arith.constant 3 : i32
      %add3A_132 = arith.addi %add3A_130, %add3A_131 : i32
      %dma_start3A_133 = arith.constant 0 : i32
      %dma_start3A_134 = tpu.memref_slice %arg4[%arg1, %add3A_132, %dma_start3A_133] : memref<16x165x128xi32, #tpu.memory_space<hbm>> -> memref<1x1x128xi32, #tpu.memory_space<hbm>>
      %dma_start3A_135 = tpu.memref_squeeze %dma_start3A_134 : memref<1x1x128xi32, #tpu.memory_space<hbm>> -> memref<128xi32, #tpu.memory_space<hbm>>
      %dma_start3A_136 = arith.constant 0 : i32
      %dma_start3A_137 = tpu.memref_slice %arg4[%arg1, %add3A_132, %dma_start3A_136] : memref<16x165x128xi32, #tpu.memory_space<hbm>> -> memref<1x1x128xi32, #tpu.memory_space<hbm>>
      %dma_start3A_138 = tpu.memref_squeeze %dma_start3A_137 : memref<1x1x128xi32, #tpu.memory_space<hbm>> -> memref<128xi32, #tpu.memory_space<hbm>>
      tpu.enqueue_dma source(%dma_start3A_138 : memref<128xi32, #tpu.memory_space<hbm>>) target(%arg8 : memref<128xi32, #tpu.memory_space<vmem>>) target_semaphore(%arg24 : memref<!tpu.dma_semaphore, #tpu.memory_space<semaphore_mem>>)
      %dma_wait3A_139 = arith.constant 0 : i32
      %dma_wait3A_140 = arith.constant 0 : i32
      %dma_wait3A_141 = tpu.memref_slice %arg28[%dma_wait3A_139, %dma_wait3A_140] : memref<10240x32xf32, #tpu.memory_space<vmem_shared>> -> memref<10240x32xf32, #tpu.memory_space<vmem_shared>>
      tpu.wait_indirect_dma semaphore(%arg22 : memref<!tpu.dma_semaphore, #tpu.memory_space<semaphore_mem>>) src(%arg11 : memref<128x32xf32, #tpu.memory_space<vmem>>) dst(%dma_wait3A_141 : memref<10240x32xf32, #tpu.memory_space<vmem_shared>>)
      %add3A_142 = arith.constant 1 : i32
      %add3A_143 = arith.addi %mul3A_95, %add3A_142 : i32
      %add3A_144 = arith.constant 3 : i32
      %add3A_145 = arith.addi %add3A_143, %add3A_144 : i32
      %dma_start3A_146 = arith.constant 0 : i32
      %dma_start3A_147 = tpu.memref_slice %arg4[%arg1, %add3A_145, %dma_start3A_146] : memref<16x165x128xi32, #tpu.memory_space<hbm>> -> memref<1x1x128xi32, #tpu.memory_space<hbm>>
      %dma_start3A_148 = tpu.memref_squeeze %dma_start3A_147 : memref<1x1x128xi32, #tpu.memory_space<hbm>> -> memref<128xi32, #tpu.memory_space<hbm>>
      %dma_start3A_149 = arith.constant 0 : i32
      %dma_start3A_150 = tpu.memref_slice %arg4[%arg1, %add3A_145, %dma_start3A_149] : memref<16x165x128xi32, #tpu.memory_space<hbm>> -> memref<1x1x128xi32, #tpu.memory_space<hbm>>
      %dma_start3A_151 = tpu.memref_squeeze %dma_start3A_150 : memref<1x1x128xi32, #tpu.memory_space<hbm>> -> memref<128xi32, #tpu.memory_space<hbm>>
      tpu.enqueue_dma source(%dma_start3A_151 : memref<128xi32, #tpu.memory_space<hbm>>) target(%arg9 : memref<128xi32, #tpu.memory_space<vmem>>) target_semaphore(%arg25 : memref<!tpu.dma_semaphore, #tpu.memory_space<semaphore_mem>>)
      %dma_wait3A_152 = arith.constant 0 : i32
      %dma_wait3A_153 = arith.constant 0 : i32
      %dma_wait3A_154 = tpu.memref_slice %arg28[%dma_wait3A_152, %dma_wait3A_153] : memref<10240x32xf32, #tpu.memory_space<vmem_shared>> -> memref<10240x32xf32, #tpu.memory_space<vmem_shared>>
      tpu.wait_indirect_dma semaphore(%arg23 : memref<!tpu.dma_semaphore, #tpu.memory_space<semaphore_mem>>) src(%arg11 : memref<128x32xf32, #tpu.memory_space<vmem>>) dst(%dma_wait3A_154 : memref<10240x32xf32, #tpu.memory_space<vmem_shared>>)
      %add3A_155 = arith.constant 2 : i32
      %add3A_156 = arith.addi %mul3A_95, %add3A_155 : i32
      %add3A_157 = arith.constant 3 : i32
      %add3A_158 = arith.addi %add3A_156, %add3A_157 : i32
      %dma_start3A_159 = arith.constant 0 : i32
      %dma_start3A_160 = tpu.memref_slice %arg4[%arg1, %add3A_158, %dma_start3A_159] : memref<16x165x128xi32, #tpu.memory_space<hbm>> -> memref<1x1x128xi32, #tpu.memory_space<hbm>>
      %dma_start3A_161 = tpu.memref_squeeze %dma_start3A_160 : memref<1x1x128xi32, #tpu.memory_space<hbm>> -> memref<128xi32, #tpu.memory_space<hbm>>
      %dma_start3A_162 = arith.constant 0 : i32
      %dma_start3A_163 = tpu.memref_slice %arg4[%arg1, %add3A_158, %dma_start3A_162] : memref<16x165x128xi32, #tpu.memory_space<hbm>> -> memref<1x1x128xi32, #tpu.memory_space<hbm>>
      %dma_start3A_164 = tpu.memref_squeeze %dma_start3A_163 : memref<1x1x128xi32, #tpu.memory_space<hbm>> -> memref<128xi32, #tpu.memory_space<hbm>>
      tpu.enqueue_dma source(%dma_start3A_164 : memref<128xi32, #tpu.memory_space<hbm>>) target(%arg10 : memref<128xi32, #tpu.memory_space<vmem>>) target_semaphore(%arg26 : memref<!tpu.dma_semaphore, #tpu.memory_space<semaphore_mem>>)
      %scan3A_165 = arith.constant 0 : i32
      scf.yield %scan3A_165 : i32
    }
    %scan3A_45 = arith.constant 54 : i32
    %dma_wait3A = arith.constant 0 : i32
    %dma_wait3A_46 = arith.constant 0 : i32
    %dma_wait3A_47 = tpu.memref_slice %arg4[%arg1, %dma_wait3A, %dma_wait3A_46] : memref<16x165x128xi32, #tpu.memory_space<hbm>> -> memref<1x1x128xi32, #tpu.memory_space<hbm>>
    %dma_wait3A_48 = tpu.memref_squeeze %dma_wait3A_47 : memref<1x1x128xi32, #tpu.memory_space<hbm>> -> memref<128xi32, #tpu.memory_space<hbm>>
    %dma_wait3A_49 = arith.constant 0 : i32
    %dma_wait3A_50 = tpu.memref_slice %arg4[%arg1, %dma_wait3A, %dma_wait3A_49] : memref<16x165x128xi32, #tpu.memory_space<hbm>> -> memref<1x1x128xi32, #tpu.memory_space<hbm>>
    %dma_wait3A_51 = tpu.memref_squeeze %dma_wait3A_50 : memref<1x1x128xi32, #tpu.memory_space<hbm>> -> memref<128xi32, #tpu.memory_space<hbm>>
    tpu.wait_dma2 semaphore(%arg24 : memref<!tpu.dma_semaphore, #tpu.memory_space<semaphore_mem>>) src(%dma_wait3A_51 : memref<128xi32, #tpu.memory_space<hbm>>) dst(%arg8 : memref<128xi32, #tpu.memory_space<vmem>>)
    %dma_wait3A_52 = arith.constant 0 : i32
    %dma_wait3A_53 = arith.constant 0 : i32
    %dma_wait3A_54 = tpu.memref_slice %arg4[%arg1, %dma_wait3A_52, %dma_wait3A_53] : memref<16x165x128xi32, #tpu.memory_space<hbm>> -> memref<1x1x128xi32, #tpu.memory_space<hbm>>
    %dma_wait3A_55 = tpu.memref_squeeze %dma_wait3A_54 : memref<1x1x128xi32, #tpu.memory_space<hbm>> -> memref<128xi32, #tpu.memory_space<hbm>>
    %dma_wait3A_56 = arith.constant 0 : i32
    %dma_wait3A_57 = tpu.memref_slice %arg4[%arg1, %dma_wait3A_52, %dma_wait3A_56] : memref<16x165x128xi32, #tpu.memory_space<hbm>> -> memref<1x1x128xi32, #tpu.memory_space<hbm>>
    %dma_wait3A_58 = tpu.memref_squeeze %dma_wait3A_57 : memref<1x1x128xi32, #tpu.memory_space<hbm>> -> memref<128xi32, #tpu.memory_space<hbm>>
    tpu.wait_dma2 semaphore(%arg25 : memref<!tpu.dma_semaphore, #tpu.memory_space<semaphore_mem>>) src(%dma_wait3A_58 : memref<128xi32, #tpu.memory_space<hbm>>) dst(%arg9 : memref<128xi32, #tpu.memory_space<vmem>>)
    %dma_wait3A_59 = arith.constant 0 : i32
    %dma_wait3A_60 = arith.constant 0 : i32
    %dma_wait3A_61 = tpu.memref_slice %arg4[%arg1, %dma_wait3A_59, %dma_wait3A_60] : memref<16x165x128xi32, #tpu.memory_space<hbm>> -> memref<1x1x128xi32, #tpu.memory_space<hbm>>
    %dma_wait3A_62 = tpu.memref_squeeze %dma_wait3A_61 : memref<1x1x128xi32, #tpu.memory_space<hbm>> -> memref<128xi32, #tpu.memory_space<hbm>>
    %dma_wait3A_63 = arith.constant 0 : i32
    %dma_wait3A_64 = tpu.memref_slice %arg4[%arg1, %dma_wait3A_59, %dma_wait3A_63] : memref<16x165x128xi32, #tpu.memory_space<hbm>> -> memref<1x1x128xi32, #tpu.memory_space<hbm>>
    %dma_wait3A_65 = tpu.memref_squeeze %dma_wait3A_64 : memref<1x1x128xi32, #tpu.memory_space<hbm>> -> memref<128xi32, #tpu.memory_space<hbm>>
    tpu.wait_dma2 semaphore(%arg26 : memref<!tpu.dma_semaphore, #tpu.memory_space<semaphore_mem>>) src(%dma_wait3A_65 : memref<128xi32, #tpu.memory_space<hbm>>) dst(%arg10 : memref<128xi32, #tpu.memory_space<vmem>>)
    %barrier3A_66 = arith.constant 0 : index
    tpu.barrier barrier_id(%barrier3A_66)
    "tpu.region"() ({
      %run_scoped3A = tpu.sem_alloc : memref<!tpu.dma_semaphore, #tpu.memory_space<semaphore_mem>>
      %dma_start3A_92 = arith.constant 0 : i32
      %dma_start3A_93 = tpu.memref_slice %arg28[%mul3A_0, %dma_start3A_92] : memref<10240x32xf32, #tpu.memory_space<vmem_shared>> -> memref<640x32xf32, #tpu.memory_space<vmem_shared>>
      %dma_start3A_94 = arith.constant 0 : i32
      %dma_start3A_95 = tpu.memref_slice %arg28[%mul3A_0, %dma_start3A_94] : memref<10240x32xf32, #tpu.memory_space<vmem_shared>> -> memref<640x32xf32, #tpu.memory_space<vmem_shared>>
      tpu.enqueue_dma source(%dma_start3A_95 : memref<640x32xf32, #tpu.memory_space<vmem_shared>>) target(%arg15 : memref<640x32xf32, #tpu.memory_space<vmem>>) target_semaphore(%run_scoped3A : memref<!tpu.dma_semaphore, #tpu.memory_space<semaphore_mem>>)
      %dma_wait3A_96 = arith.constant 0 : i32
      %dma_wait3A_97 = tpu.memref_slice %arg28[%mul3A_0, %dma_wait3A_96] : memref<10240x32xf32, #tpu.memory_space<vmem_shared>> -> memref<640x32xf32, #tpu.memory_space<vmem_shared>>
      %dma_wait3A_98 = arith.constant 0 : i32
      %dma_wait3A_99 = tpu.memref_slice %arg28[%mul3A_0, %dma_wait3A_98] : memref<10240x32xf32, #tpu.memory_space<vmem_shared>> -> memref<640x32xf32, #tpu.memory_space<vmem_shared>>
      tpu.wait_dma2 semaphore(%run_scoped3A : memref<!tpu.dma_semaphore, #tpu.memory_space<semaphore_mem>>) src(%dma_wait3A_99 : memref<640x32xf32, #tpu.memory_space<vmem_shared>>) dst(%arg15 : memref<640x32xf32, #tpu.memory_space<vmem>>)
      tpu.yield
    }) : () -> ()
    "tpu.region"() ({
      %run_scoped3A = tpu.sem_alloc : memref<!tpu.dma_semaphore, #tpu.memory_space<semaphore_mem>>
      %dma_start3A_92 = arith.constant 0 : i32
      %dma_start3A_93 = tpu.memref_slice %arg2[%arg0, %mul3A_0, %dma_start3A_92] : memref<2x10240x32xf32, #tpu.memory_space<hbm>> -> memref<1x640x32xf32, #tpu.memory_space<hbm>>
      %dma_start3A_94 = tpu.memref_squeeze %dma_start3A_93 : memref<1x640x32xf32, #tpu.memory_space<hbm>> -> memref<640x32xf32, #tpu.memory_space<hbm>>
      %dma_start3A_95 = arith.constant 0 : i32
      %dma_start3A_96 = tpu.memref_slice %arg2[%arg0, %mul3A_0, %dma_start3A_95] : memref<2x10240x32xf32, #tpu.memory_space<hbm>> -> memref<1x640x32xf32, #tpu.memory_space<hbm>>
      %dma_start3A_97 = tpu.memref_squeeze %dma_start3A_96 : memref<1x640x32xf32, #tpu.memory_space<hbm>> -> memref<640x32xf32, #tpu.memory_space<hbm>>
      tpu.enqueue_dma source(%dma_start3A_97 : memref<640x32xf32, #tpu.memory_space<hbm>>) target(%arg16 : memref<640x32xf32, #tpu.memory_space<vmem>>) target_semaphore(%run_scoped3A : memref<!tpu.dma_semaphore, #tpu.memory_space<semaphore_mem>>)
      %dma_wait3A_98 = arith.constant 0 : i32
      %dma_wait3A_99 = tpu.memref_slice %arg2[%arg0, %mul3A_0, %dma_wait3A_98] : memref<2x10240x32xf32, #tpu.memory_space<hbm>> -> memref<1x640x32xf32, #tpu.memory_space<hbm>>
      %dma_wait3A_100 = tpu.memref_squeeze %dma_wait3A_99 : memref<1x640x32xf32, #tpu.memory_space<hbm>> -> memref<640x32xf32, #tpu.memory_space<hbm>>
      %dma_wait3A_101 = arith.constant 0 : i32
      %dma_wait3A_102 = tpu.memref_slice %arg2[%arg0, %mul3A_0, %dma_wait3A_101] : memref<2x10240x32xf32, #tpu.memory_space<hbm>> -> memref<1x640x32xf32, #tpu.memory_space<hbm>>
      %dma_wait3A_103 = tpu.memref_squeeze %dma_wait3A_102 : memref<1x640x32xf32, #tpu.memory_space<hbm>> -> memref<640x32xf32, #tpu.memory_space<hbm>>
      tpu.wait_dma2 semaphore(%run_scoped3A : memref<!tpu.dma_semaphore, #tpu.memory_space<semaphore_mem>>) src(%dma_wait3A_103 : memref<640x32xf32, #tpu.memory_space<hbm>>) dst(%arg16 : memref<640x32xf32, #tpu.memory_space<vmem>>)
      tpu.yield
    }) : () -> ()
    %scan3A_67 = arith.constant 0 : i32
    %scan3A_68 = arith.constant 0 : i32
    %scan3A_69 = arith.constant 640 : i32
    %scan3A_70 = arith.addi %scan3A_68, %scan3A_69 : i32
    %scan3A_71 = arith.constant 1 : i32
    %scan3A_72 = scf.for %scan3A_92 = %scan3A_68 to %scan3A_70 step %scan3A_71 iter_args(%scan3A_93 = %scan3A_67) -> (i32)  : i32 {
      %get3A = arith.index_cast %scan3A_92 : i32 to index
      %get3A_94 = arith.constant 0 : index
      %get3A_95 = tpu.vector_load %arg15[%get3A, %get3A_94] {strides = array<i32>} : memref<640x32xf32, #tpu.memory_space<vmem>>, vector<1x16xf32>,
      %get3A_96 = vector.shape_cast %get3A_95 : vector<1x16xf32> to vector<16xf32>
      %bitcast_convert_type3A = tpu.bitcast %get3A_96 : vector<16xf32> -> vector<16xi32>
      %shift_right_logical3A = arith.constant 1 : i32
      %shift_right_logical3A_97 = vector.broadcast %shift_right_logical3A : i32 to vector<16xi32>
      %shift_right_logical3A_98 = arith.shrui %bitcast_convert_type3A, %shift_right_logical3A_97 : vector<16xi32>
      %sub3A = arith.constant 1597463007 : i32
      %sub3A_99 = vector.broadcast %sub3A : i32 to vector<16xi32>
      %sub3A_100 = arith.subi %sub3A_99, %shift_right_logical3A_98 : vector<16xi32>
      %bitcast_convert_type3A_101 = tpu.bitcast %sub3A_100 : vector<16xi32> -> vector<16xf32>
      %mul3A_102 = arith.constant 5.000000e-01 : f32
      %mul3A_103 = vector.broadcast %mul3A_102 : f32 to vector<16xf32>
      %mul3A_104 = arith.mulf %mul3A_103, %get3A_96 : vector<16xf32>
      %mul3A_105 = arith.mulf %mul3A_104, %bitcast_convert_type3A_101 : vector<16xf32>
      %mul3A_106 = arith.mulf %mul3A_105, %bitcast_convert_type3A_101 : vector<16xf32>
      %sub3A_107 = arith.constant 1.500000e+00 : f32
      %sub3A_108 = vector.broadcast %sub3A_107 : f32 to vector<16xf32>
      %sub3A_109 = arith.subf %sub3A_108, %mul3A_106 : vector<16xf32>
      %mul3A_110 = arith.mulf %bitcast_convert_type3A_101, %sub3A_109 : vector<16xf32>
      %mul3A_111 = arith.mulf %mul3A_104, %mul3A_110 : vector<16xf32>
      %mul3A_112 = arith.mulf %mul3A_111, %mul3A_110 : vector<16xf32>
      %sub3A_113 = arith.constant 1.500000e+00 : f32
      %sub3A_114 = vector.broadcast %sub3A_113 : f32 to vector<16xf32>
      %sub3A_115 = arith.subf %sub3A_114, %mul3A_112 : vector<16xf32>
      %mul3A_116 = arith.mulf %mul3A_110, %sub3A_115 : vector<16xf32>
      %mul3A_117 = arith.mulf %mul3A_104, %mul3A_116 : vector<16xf32>
      %mul3A_118 = arith.mulf %mul3A_117, %mul3A_116 : vector<16xf32>
      %sub3A_119 = arith.constant 1.500000e+00 : f32
      %sub3A_120 = vector.broadcast %sub3A_119 : f32 to vector<16xf32>
      %sub3A_121 = arith.subf %sub3A_120, %mul3A_118 : vector<16xf32>
      %mul3A_122 = arith.mulf %mul3A_116, %sub3A_121 : vector<16xf32>
      %mul3A_123 = arith.mulf %mul3A_104, %mul3A_122 : vector<16xf32>
      %mul3A_124 = arith.mulf %mul3A_123, %mul3A_122 : vector<16xf32>
      %sub3A_125 = arith.constant 1.500000e+00 : f32
      %sub3A_126 = vector.broadcast %sub3A_125 : f32 to vector<16xf32>
      %sub3A_127 = arith.subf %sub3A_126, %mul3A_124 : vector<16xf32>
      %mul3A_128 = arith.mulf %mul3A_122, %sub3A_127 : vector<16xf32>
      %gt3A = arith.constant 0.000000e+00 : f32
      %gt3A_129 = vector.broadcast %gt3A : f32 to vector<16xf32>
      %gt3A_130 = arith.cmpf ogt, %get3A_96, %gt3A_129 : vector<16xf32>
      %jit3A = arith.constant 0.000000e+00 : f32
      %broadcast_in_dim3A_131 = vector.broadcast %jit3A : f32 to vector<16xf32>
      %select_n3A = arith.select %gt3A_130, %mul3A_128, %broadcast_in_dim3A_131 : vector<16xi1>, vector<16xf32>
      %swap3A = arith.index_cast %scan3A_92 : i32 to index
      %swap3A_132 = arith.constant 0 : index
      %swap3A_133 = tpu.vector_load %arg17[%swap3A, %swap3A_132] {strides = array<i32>} : memref<640x16xf32, #tpu.memory_space<vmem>>, vector<1x16xf32>,
      %swap3A_134 = vector.shape_cast %swap3A_133 : vector<1x16xf32> to vector<16xf32>
      %swap3A_135 = vector.shape_cast %select_n3A : vector<16xf32> to vector<1x16xf32>
      tpu.vector_store %arg17[%swap3A, %swap3A_132], %swap3A_135 {strides = array<i32>} : memref<640x16xf32, #tpu.memory_space<vmem>>, vector<1x16xf32>,
      %get3A_136 = arith.index_cast %scan3A_92 : i32 to index
      %get3A_137 = arith.constant 0 : index
      %get3A_138 = tpu.vector_load %arg16[%get3A_136, %get3A_137] {strides = array<i32>} : memref<640x32xf32, #tpu.memory_space<vmem>>, vector<1x16xf32>,
      %get3A_139 = vector.shape_cast %get3A_138 : vector<1x16xf32> to vector<16xf32>
      %mul3A_140 = arith.mulf %select_n3A, %get3A_139 : vector<16xf32>
      %swap3A_141 = arith.index_cast %scan3A_92 : i32 to index
      %swap3A_142 = arith.constant 0 : index
      %swap3A_143 = tpu.vector_load %arg16[%swap3A_141, %swap3A_142] {strides = array<i32>} : memref<640x32xf32, #tpu.memory_space<vmem>>, vector<1x16xf32>,
      %swap3A_144 = vector.shape_cast %swap3A_143 : vector<1x16xf32> to vector<16xf32>
      %swap3A_145 = vector.shape_cast %mul3A_140 : vector<16xf32> to vector<1x16xf32>
      tpu.vector_store %arg16[%swap3A_141, %swap3A_142], %swap3A_145 {strides = array<i32>} : memref<640x32xf32, #tpu.memory_space<vmem>>, vector<1x16xf32>,
      %get3A_146 = arith.index_cast %scan3A_92 : i32 to index
      %get3A_147 = arith.constant 16 : index
      %get3A_148 = tpu.vector_load %arg16[%get3A_146, %get3A_147] {strides = array<i32>} : memref<640x32xf32, #tpu.memory_space<vmem>>, vector<1x16xf32>,
      %get3A_149 = vector.shape_cast %get3A_148 : vector<1x16xf32> to vector<16xf32>
      %mul3A_150 = arith.mulf %select_n3A, %get3A_149 : vector<16xf32>
      %swap3A_151 = arith.index_cast %scan3A_92 : i32 to index
      %swap3A_152 = arith.constant 16 : index
      %swap3A_153 = tpu.vector_load %arg16[%swap3A_151, %swap3A_152] {strides = array<i32>} : memref<640x32xf32, #tpu.memory_space<vmem>>, vector<1x16xf32>,
      %swap3A_154 = vector.shape_cast %swap3A_153 : vector<1x16xf32> to vector<16xf32>
      %swap3A_155 = vector.shape_cast %mul3A_150 : vector<16xf32> to vector<1x16xf32>
      tpu.vector_store %arg16[%swap3A_151, %swap3A_152], %swap3A_155 {strides = array<i32>} : memref<640x32xf32, #tpu.memory_space<vmem>>, vector<1x16xf32>,
      %scan3A_156 = arith.constant 0 : i32
      scf.yield %scan3A_156 : i32
    }
    %scan3A_73 = arith.constant 640 : i32
    "tpu.region"() ({
      %run_scoped3A = tpu.sem_alloc : memref<!tpu.dma_semaphore, #tpu.memory_space<semaphore_mem>>
      %dma_start3A_92 = arith.constant 0 : i32
      %dma_start3A_93 = tpu.memref_slice %arg29[%mul3A_0, %dma_start3A_92] : memref<10240x32xf32, #tpu.memory_space<vmem_shared>> -> memref<640x32xf32, #tpu.memory_space<vmem_shared>>
      %dma_start3A_94 = arith.constant 0 : i32
      %dma_start3A_95 = tpu.memref_slice %arg29[%mul3A_0, %dma_start3A_94] : memref<10240x32xf32, #tpu.memory_space<vmem_shared>> -> memref<640x32xf32, #tpu.memory_space<vmem_shared>>
      tpu.enqueue_dma source(%arg16 : memref<640x32xf32, #tpu.memory_space<vmem>>) target(%dma_start3A_95 : memref<640x32xf32, #tpu.memory_space<vmem_shared>>) target_semaphore(%run_scoped3A : memref<!tpu.dma_semaphore, #tpu.memory_space<semaphore_mem>>)
      %dma_wait3A_96 = arith.constant 0 : i32
      %dma_wait3A_97 = tpu.memref_slice %arg29[%mul3A_0, %dma_wait3A_96] : memref<10240x32xf32, #tpu.memory_space<vmem_shared>> -> memref<640x32xf32, #tpu.memory_space<vmem_shared>>
      %dma_wait3A_98 = arith.constant 0 : i32
      %dma_wait3A_99 = tpu.memref_slice %arg29[%mul3A_0, %dma_wait3A_98] : memref<10240x32xf32, #tpu.memory_space<vmem_shared>> -> memref<640x32xf32, #tpu.memory_space<vmem_shared>>
      tpu.wait_dma2 semaphore(%run_scoped3A : memref<!tpu.dma_semaphore, #tpu.memory_space<semaphore_mem>>) src(%arg16 : memref<640x32xf32, #tpu.memory_space<vmem>>) dst(%dma_wait3A_99 : memref<640x32xf32, #tpu.memory_space<vmem_shared>>)
      tpu.yield
    }) : () -> ()
    %add3A_74 = arith.constant 0 : i32
    %add3A_75 = arith.addi %mul3A_0, %add3A_74 : i32
    "tpu.region"() ({
      %run_scoped3A = tpu.sem_alloc : memref<!tpu.dma_semaphore, #tpu.memory_space<semaphore_mem>>
      %dma_start3A_92 = arith.constant 0 : i32
      %dma_start3A_93 = tpu.memref_slice %arg28[%add3A_75, %dma_start3A_92] : memref<10240x32xf32, #tpu.memory_space<vmem_shared>> -> memref<128x32xf32, #tpu.memory_space<vmem_shared>>
      %dma_start3A_94 = arith.constant 0 : i32
      %dma_start3A_95 = tpu.memref_slice %arg28[%add3A_75, %dma_start3A_94] : memref<10240x32xf32, #tpu.memory_space<vmem_shared>> -> memref<128x32xf32, #tpu.memory_space<vmem_shared>>
      tpu.enqueue_dma source(%arg14 : memref<128x32xf32, #tpu.memory_space<vmem>>) target(%dma_start3A_95 : memref<128x32xf32, #tpu.memory_space<vmem_shared>>) target_semaphore(%run_scoped3A : memref<!tpu.dma_semaphore, #tpu.memory_space<semaphore_mem>>)
      %dma_wait3A_96 = arith.constant 0 : i32
      %dma_wait3A_97 = tpu.memref_slice %arg28[%add3A_75, %dma_wait3A_96] : memref<10240x32xf32, #tpu.memory_space<vmem_shared>> -> memref<128x32xf32, #tpu.memory_space<vmem_shared>>
      %dma_wait3A_98 = arith.constant 0 : i32
      %dma_wait3A_99 = tpu.memref_slice %arg28[%add3A_75, %dma_wait3A_98] : memref<10240x32xf32, #tpu.memory_space<vmem_shared>> -> memref<128x32xf32, #tpu.memory_space<vmem_shared>>
      tpu.wait_dma2 semaphore(%run_scoped3A : memref<!tpu.dma_semaphore, #tpu.memory_space<semaphore_mem>>) src(%arg14 : memref<128x32xf32, #tpu.memory_space<vmem>>) dst(%dma_wait3A_99 : memref<128x32xf32, #tpu.memory_space<vmem_shared>>)
      tpu.yield
    }) : () -> ()
    %add3A_76 = arith.constant 128 : i32
    %add3A_77 = arith.addi %mul3A_0, %add3A_76 : i32
    "tpu.region"() ({
      %run_scoped3A = tpu.sem_alloc : memref<!tpu.dma_semaphore, #tpu.memory_space<semaphore_mem>>
      %dma_start3A_92 = arith.constant 0 : i32
      %dma_start3A_93 = tpu.memref_slice %arg28[%add3A_77, %dma_start3A_92] : memref<10240x32xf32, #tpu.memory_space<vmem_shared>> -> memref<128x32xf32, #tpu.memory_space<vmem_shared>>
      %dma_start3A_94 = arith.constant 0 : i32
      %dma_start3A_95 = tpu.memref_slice %arg28[%add3A_77, %dma_start3A_94] : memref<10240x32xf32, #tpu.memory_space<vmem_shared>> -> memref<128x32xf32, #tpu.memory_space<vmem_shared>>
      tpu.enqueue_dma source(%arg14 : memref<128x32xf32, #tpu.memory_space<vmem>>) target(%dma_start3A_95 : memref<128x32xf32, #tpu.memory_space<vmem_shared>>) target_semaphore(%run_scoped3A : memref<!tpu.dma_semaphore, #tpu.memory_space<semaphore_mem>>)
      %dma_wait3A_96 = arith.constant 0 : i32
      %dma_wait3A_97 = tpu.memref_slice %arg28[%add3A_77, %dma_wait3A_96] : memref<10240x32xf32, #tpu.memory_space<vmem_shared>> -> memref<128x32xf32, #tpu.memory_space<vmem_shared>>
      %dma_wait3A_98 = arith.constant 0 : i32
      %dma_wait3A_99 = tpu.memref_slice %arg28[%add3A_77, %dma_wait3A_98] : memref<10240x32xf32, #tpu.memory_space<vmem_shared>> -> memref<128x32xf32, #tpu.memory_space<vmem_shared>>
      tpu.wait_dma2 semaphore(%run_scoped3A : memref<!tpu.dma_semaphore, #tpu.memory_space<semaphore_mem>>) src(%arg14 : memref<128x32xf32, #tpu.memory_space<vmem>>) dst(%dma_wait3A_99 : memref<128x32xf32, #tpu.memory_space<vmem_shared>>)
      tpu.yield
    }) : () -> ()
    %add3A_78 = arith.constant 256 : i32
    %add3A_79 = arith.addi %mul3A_0, %add3A_78 : i32
    "tpu.region"() ({
      %run_scoped3A = tpu.sem_alloc : memref<!tpu.dma_semaphore, #tpu.memory_space<semaphore_mem>>
      %dma_start3A_92 = arith.constant 0 : i32
      %dma_start3A_93 = tpu.memref_slice %arg28[%add3A_79, %dma_start3A_92] : memref<10240x32xf32, #tpu.memory_space<vmem_shared>> -> memref<128x32xf32, #tpu.memory_space<vmem_shared>>
      %dma_start3A_94 = arith.constant 0 : i32
      %dma_start3A_95 = tpu.memref_slice %arg28[%add3A_79, %dma_start3A_94] : memref<10240x32xf32, #tpu.memory_space<vmem_shared>> -> memref<128x32xf32, #tpu.memory_space<vmem_shared>>
      tpu.enqueue_dma source(%arg14 : memref<128x32xf32, #tpu.memory_space<vmem>>) target(%dma_start3A_95 : memref<128x32xf32, #tpu.memory_space<vmem_shared>>) target_semaphore(%run_scoped3A : memref<!tpu.dma_semaphore, #tpu.memory_space<semaphore_mem>>)
      %dma_wait3A_96 = arith.constant 0 : i32
      %dma_wait3A_97 = tpu.memref_slice %arg28[%add3A_79, %dma_wait3A_96] : memref<10240x32xf32, #tpu.memory_space<vmem_shared>> -> memref<128x32xf32, #tpu.memory_space<vmem_shared>>
      %dma_wait3A_98 = arith.constant 0 : i32
      %dma_wait3A_99 = tpu.memref_slice %arg28[%add3A_79, %dma_wait3A_98] : memref<10240x32xf32, #tpu.memory_space<vmem_shared>> -> memref<128x32xf32, #tpu.memory_space<vmem_shared>>
      tpu.wait_dma2 semaphore(%run_scoped3A : memref<!tpu.dma_semaphore, #tpu.memory_space<semaphore_mem>>) src(%arg14 : memref<128x32xf32, #tpu.memory_space<vmem>>) dst(%dma_wait3A_99 : memref<128x32xf32, #tpu.memory_space<vmem_shared>>)
      tpu.yield
    }) : () -> ()
    %add3A_80 = arith.constant 384 : i32
    %add3A_81 = arith.addi %mul3A_0, %add3A_80 : i32
    "tpu.region"() ({
      %run_scoped3A = tpu.sem_alloc : memref<!tpu.dma_semaphore, #tpu.memory_space<semaphore_mem>>
      %dma_start3A_92 = arith.constant 0 : i32
      %dma_start3A_93 = tpu.memref_slice %arg28[%add3A_81, %dma_start3A_92] : memref<10240x32xf32, #tpu.memory_space<vmem_shared>> -> memref<128x32xf32, #tpu.memory_space<vmem_shared>>
      %dma_start3A_94 = arith.constant 0 : i32
      %dma_start3A_95 = tpu.memref_slice %arg28[%add3A_81, %dma_start3A_94] : memref<10240x32xf32, #tpu.memory_space<vmem_shared>> -> memref<128x32xf32, #tpu.memory_space<vmem_shared>>
      tpu.enqueue_dma source(%arg14 : memref<128x32xf32, #tpu.memory_space<vmem>>) target(%dma_start3A_95 : memref<128x32xf32, #tpu.memory_space<vmem_shared>>) target_semaphore(%run_scoped3A : memref<!tpu.dma_semaphore, #tpu.memory_space<semaphore_mem>>)
      %dma_wait3A_96 = arith.constant 0 : i32
      %dma_wait3A_97 = tpu.memref_slice %arg28[%add3A_81, %dma_wait3A_96] : memref<10240x32xf32, #tpu.memory_space<vmem_shared>> -> memref<128x32xf32, #tpu.memory_space<vmem_shared>>
      %dma_wait3A_98 = arith.constant 0 : i32
      %dma_wait3A_99 = tpu.memref_slice %arg28[%add3A_81, %dma_wait3A_98] : memref<10240x32xf32, #tpu.memory_space<vmem_shared>> -> memref<128x32xf32, #tpu.memory_space<vmem_shared>>
      tpu.wait_dma2 semaphore(%run_scoped3A : memref<!tpu.dma_semaphore, #tpu.memory_space<semaphore_mem>>) src(%arg14 : memref<128x32xf32, #tpu.memory_space<vmem>>) dst(%dma_wait3A_99 : memref<128x32xf32, #tpu.memory_space<vmem_shared>>)
      tpu.yield
    }) : () -> ()
    %add3A_82 = arith.constant 512 : i32
    %add3A_83 = arith.addi %mul3A_0, %add3A_82 : i32
    "tpu.region"() ({
      %run_scoped3A = tpu.sem_alloc : memref<!tpu.dma_semaphore, #tpu.memory_space<semaphore_mem>>
      %dma_start3A_92 = arith.constant 0 : i32
      %dma_start3A_93 = tpu.memref_slice %arg28[%add3A_83, %dma_start3A_92] : memref<10240x32xf32, #tpu.memory_space<vmem_shared>> -> memref<128x32xf32, #tpu.memory_space<vmem_shared>>
      %dma_start3A_94 = arith.constant 0 : i32
      %dma_start3A_95 = tpu.memref_slice %arg28[%add3A_83, %dma_start3A_94] : memref<10240x32xf32, #tpu.memory_space<vmem_shared>> -> memref<128x32xf32, #tpu.memory_space<vmem_shared>>
      tpu.enqueue_dma source(%arg14 : memref<128x32xf32, #tpu.memory_space<vmem>>) target(%dma_start3A_95 : memref<128x32xf32, #tpu.memory_space<vmem_shared>>) target_semaphore(%run_scoped3A : memref<!tpu.dma_semaphore, #tpu.memory_space<semaphore_mem>>)
      %dma_wait3A_96 = arith.constant 0 : i32
      %dma_wait3A_97 = tpu.memref_slice %arg28[%add3A_83, %dma_wait3A_96] : memref<10240x32xf32, #tpu.memory_space<vmem_shared>> -> memref<128x32xf32, #tpu.memory_space<vmem_shared>>
      %dma_wait3A_98 = arith.constant 0 : i32
      %dma_wait3A_99 = tpu.memref_slice %arg28[%add3A_83, %dma_wait3A_98] : memref<10240x32xf32, #tpu.memory_space<vmem_shared>> -> memref<128x32xf32, #tpu.memory_space<vmem_shared>>
      tpu.wait_dma2 semaphore(%run_scoped3A : memref<!tpu.dma_semaphore, #tpu.memory_space<semaphore_mem>>) src(%arg14 : memref<128x32xf32, #tpu.memory_space<vmem>>) dst(%dma_wait3A_99 : memref<128x32xf32, #tpu.memory_space<vmem_shared>>)
      tpu.yield
    }) : () -> ()
    %barrier3A_84 = arith.constant 0 : index
    tpu.barrier barrier_id(%barrier3A_84)
    %scan3A_85 = arith.constant 0 : i32
    %scan3A_86 = arith.constant 0 : i32
    %scan3A_87 = arith.constant 10 : i32
    %scan3A_88 = arith.addi %scan3A_86, %scan3A_87 : i32
    %scan3A_89 = arith.constant 1 : i32
    %scan3A_90 = scf.for %scan3A_92 = %scan3A_86 to %scan3A_88 step %scan3A_89 iter_args(%scan3A_93 = %scan3A_85) -> (i32)  : i32 {
      %dma_start3A_94 = arith.constant 0 : i32
      %dma_start3A_95 = tpu.memref_slice %arg2[%arg0, %mul3A_0, %dma_start3A_94] : memref<2x10240x32xf32, #tpu.memory_space<hbm>> -> memref<1x640x32xf32, #tpu.memory_space<hbm>>
      %dma_start3A_96 = tpu.memref_squeeze %dma_start3A_95 : memref<1x640x32xf32, #tpu.memory_space<hbm>> -> memref<640x32xf32, #tpu.memory_space<hbm>>
      %dma_start3A_97 = arith.constant 0 : i32
      %dma_start3A_98 = tpu.memref_slice %arg2[%arg0, %mul3A_0, %dma_start3A_97] : memref<2x10240x32xf32, #tpu.memory_space<hbm>> -> memref<1x640x32xf32, #tpu.memory_space<hbm>>
      %dma_start3A_99 = tpu.memref_squeeze %dma_start3A_98 : memref<1x640x32xf32, #tpu.memory_space<hbm>> -> memref<640x32xf32, #tpu.memory_space<hbm>>
      tpu.enqueue_dma source(%dma_start3A_99 : memref<640x32xf32, #tpu.memory_space<hbm>>) target(%arg16 : memref<640x32xf32, #tpu.memory_space<vmem>>) target_semaphore(%arg27 : memref<!tpu.dma_semaphore, #tpu.memory_space<semaphore_mem>>)
      %dma_start3A_100 = arith.constant 0 : i32
      %dma_start3A_101 = arith.constant 0 : i32
      %dma_start3A_102 = tpu.memref_slice %arg4[%arg1, %dma_start3A_100, %dma_start3A_101] : memref<16x165x128xi32, #tpu.memory_space<hbm>> -> memref<1x1x128xi32, #tpu.memory_space<hbm>>
      %dma_start3A_103 = tpu.memref_squeeze %dma_start3A_102 : memref<1x1x128xi32, #tpu.memory_space<hbm>> -> memref<128xi32, #tpu.memory_space<hbm>>
      %dma_start3A_104 = arith.constant 0 : i32
      %dma_start3A_105 = tpu.memref_slice %arg4[%arg1, %dma_start3A_100, %dma_start3A_104] : memref<16x165x128xi32, #tpu.memory_space<hbm>> -> memref<1x1x128xi32, #tpu.memory_space<hbm>>
      %dma_start3A_106 = tpu.memref_squeeze %dma_start3A_105 : memref<1x1x128xi32, #tpu.memory_space<hbm>> -> memref<128xi32, #tpu.memory_space<hbm>>
      tpu.enqueue_dma source(%dma_start3A_106 : memref<128xi32, #tpu.memory_space<hbm>>) target(%arg8 : memref<128xi32, #tpu.memory_space<vmem>>) target_semaphore(%arg24 : memref<!tpu.dma_semaphore, #tpu.memory_space<semaphore_mem>>)
      %dma_start3A_107 = arith.constant 0 : i32
      %dma_start3A_108 = arith.constant 0 : i32
      %dma_start3A_109 = tpu.memref_slice %arg7[%dma_start3A_107, %dma_start3A_108] : memref<165x128xi32, #tpu.memory_space<vmem>> -> memref<1x128xi32, #tpu.memory_space<vmem>>
      %dma_start3A_110 = tpu.memref_squeeze %dma_start3A_109 : memref<1x128xi32, #tpu.memory_space<vmem>> -> memref<128xi32, #tpu.memory_space<vmem>>
      %dma_start3A_111 = arith.constant 0 : i32
      %dma_start3A_112 = arith.constant 0 : i32
      %dma_start3A_113 = tpu.memref_slice %arg29[%dma_start3A_111, %dma_start3A_112] : memref<10240x32xf32, #tpu.memory_space<vmem_shared>> -> memref<10240x32xf32, #tpu.memory_space<vmem_shared>>
      tpu.enqueue_indirect_dma source(%dma_start3A_113 : memref<10240x32xf32, #tpu.memory_space<vmem_shared>>) target(%arg11 : memref<128x32xf32, #tpu.memory_space<vmem>>) offsets(%dma_start3A_110 : memref<128xi32, #tpu.memory_space<vmem>>) semaphore(%arg18 : memref<!tpu.dma_semaphore, #tpu.memory_space<semaphore_mem>>)
      %dma_start3A_114 = arith.constant 1 : i32
      %dma_start3A_115 = arith.constant 0 : i32
      %dma_start3A_116 = tpu.memref_slice %arg4[%arg1, %dma_start3A_114, %dma_start3A_115] : memref<16x165x128xi32, #tpu.memory_space<hbm>> -> memref<1x1x128xi32, #tpu.memory_space<hbm>>
      %dma_start3A_117 = tpu.memref_squeeze %dma_start3A_116 : memref<1x1x128xi32, #tpu.memory_space<hbm>> -> memref<128xi32, #tpu.memory_space<hbm>>
      %dma_start3A_118 = arith.constant 0 : i32
      %dma_start3A_119 = tpu.memref_slice %arg4[%arg1, %dma_start3A_114, %dma_start3A_118] : memref<16x165x128xi32, #tpu.memory_space<hbm>> -> memref<1x1x128xi32, #tpu.memory_space<hbm>>
      %dma_start3A_120 = tpu.memref_squeeze %dma_start3A_119 : memref<1x1x128xi32, #tpu.memory_space<hbm>> -> memref<128xi32, #tpu.memory_space<hbm>>
      tpu.enqueue_dma source(%dma_start3A_120 : memref<128xi32, #tpu.memory_space<hbm>>) target(%arg9 : memref<128xi32, #tpu.memory_space<vmem>>) target_semaphore(%arg25 : memref<!tpu.dma_semaphore, #tpu.memory_space<semaphore_mem>>)
      %dma_start3A_121 = arith.constant 1 : i32
      %dma_start3A_122 = arith.constant 0 : i32
      %dma_start3A_123 = tpu.memref_slice %arg7[%dma_start3A_121, %dma_start3A_122] : memref<165x128xi32, #tpu.memory_space<vmem>> -> memref<1x128xi32, #tpu.memory_space<vmem>>
      %dma_start3A_124 = tpu.memref_squeeze %dma_start3A_123 : memref<1x128xi32, #tpu.memory_space<vmem>> -> memref<128xi32, #tpu.memory_space<vmem>>
      %dma_start3A_125 = arith.constant 0 : i32
      %dma_start3A_126 = arith.constant 0 : i32
      %dma_start3A_127 = tpu.memref_slice %arg29[%dma_start3A_125, %dma_start3A_126] : memref<10240x32xf32, #tpu.memory_space<vmem_shared>> -> memref<10240x32xf32, #tpu.memory_space<vmem_shared>>
      tpu.enqueue_indirect_dma source(%dma_start3A_127 : memref<10240x32xf32, #tpu.memory_space<vmem_shared>>) target(%arg12 : memref<128x32xf32, #tpu.memory_space<vmem>>) offsets(%dma_start3A_124 : memref<128xi32, #tpu.memory_space<vmem>>) semaphore(%arg19 : memref<!tpu.dma_semaphore, #tpu.memory_space<semaphore_mem>>)
      %dma_start3A_128 = arith.constant 2 : i32
      %dma_start3A_129 = arith.constant 0 : i32
      %dma_start3A_130 = tpu.memref_slice %arg4[%arg1, %dma_start3A_128, %dma_start3A_129] : memref<16x165x128xi32, #tpu.memory_space<hbm>> -> memref<1x1x128xi32, #tpu.memory_space<hbm>>
      %dma_start3A_131 = tpu.memref_squeeze %dma_start3A_130 : memref<1x1x128xi32, #tpu.memory_space<hbm>> -> memref<128xi32, #tpu.memory_space<hbm>>
      %dma_start3A_132 = arith.constant 0 : i32
      %dma_start3A_133 = tpu.memref_slice %arg4[%arg1, %dma_start3A_128, %dma_start3A_132] : memref<16x165x128xi32, #tpu.memory_space<hbm>> -> memref<1x1x128xi32, #tpu.memory_space<hbm>>
      %dma_start3A_134 = tpu.memref_squeeze %dma_start3A_133 : memref<1x1x128xi32, #tpu.memory_space<hbm>> -> memref<128xi32, #tpu.memory_space<hbm>>
      tpu.enqueue_dma source(%dma_start3A_134 : memref<128xi32, #tpu.memory_space<hbm>>) target(%arg10 : memref<128xi32, #tpu.memory_space<vmem>>) target_semaphore(%arg26 : memref<!tpu.dma_semaphore, #tpu.memory_space<semaphore_mem>>)
      %dma_start3A_135 = arith.constant 2 : i32
      %dma_start3A_136 = arith.constant 0 : i32
      %dma_start3A_137 = tpu.memref_slice %arg7[%dma_start3A_135, %dma_start3A_136] : memref<165x128xi32, #tpu.memory_space<vmem>> -> memref<1x128xi32, #tpu.memory_space<vmem>>
      %dma_start3A_138 = tpu.memref_squeeze %dma_start3A_137 : memref<1x128xi32, #tpu.memory_space<vmem>> -> memref<128xi32, #tpu.memory_space<vmem>>
      %dma_start3A_139 = arith.constant 0 : i32
      %dma_start3A_140 = arith.constant 0 : i32
      %dma_start3A_141 = tpu.memref_slice %arg29[%dma_start3A_139, %dma_start3A_140] : memref<10240x32xf32, #tpu.memory_space<vmem_shared>> -> memref<10240x32xf32, #tpu.memory_space<vmem_shared>>
      tpu.enqueue_indirect_dma source(%dma_start3A_141 : memref<10240x32xf32, #tpu.memory_space<vmem_shared>>) target(%arg13 : memref<128x32xf32, #tpu.memory_space<vmem>>) offsets(%dma_start3A_138 : memref<128xi32, #tpu.memory_space<vmem>>) semaphore(%arg20 : memref<!tpu.dma_semaphore, #tpu.memory_space<semaphore_mem>>)
      %scan3A_142 = arith.constant 0 : i32
      %scan3A_143 = arith.constant 0 : i32
      %scan3A_144 = arith.constant 54 : i32
      %scan3A_145 = arith.addi %scan3A_143, %scan3A_144 : i32
      %scan3A_146 = arith.constant 1 : i32
      %scan3A_147 = scf.for %scan3A_210 = %scan3A_143 to %scan3A_145 step %scan3A_146 iter_args(%scan3A_211 = %scan3A_142) -> (i32)  : i32 {
        %mul3A_212 = arith.constant 3 : i32
        %mul3A_213 = arith.muli %scan3A_210, %mul3A_212 : i32
        %dma_wait3A_214 = arith.constant 0 : i32
        %dma_wait3A_215 = arith.constant 0 : i32
        %dma_wait3A_216 = tpu.memref_slice %arg7[%dma_wait3A_214, %dma_wait3A_215] : memref<165x128xi32, #tpu.memory_space<vmem>> -> memref<1x128xi32, #tpu.memory_space<vmem>>
        %dma_wait3A_217 = tpu.memref_squeeze %dma_wait3A_216 : memref<1x128xi32, #tpu.memory_space<vmem>> -> memref<128xi32, #tpu.memory_space<vmem>>
        %dma_wait3A_218 = arith.constant 0 : i32
        %dma_wait3A_219 = arith.constant 0 : i32
        %dma_wait3A_220 = tpu.memref_slice %arg29[%dma_wait3A_218, %dma_wait3A_219] : memref<10240x32xf32, #tpu.memory_space<vmem_shared>> -> memref<10240x32xf32, #tpu.memory_space<vmem_shared>>
        tpu.wait_indirect_dma semaphore(%arg18 : memref<!tpu.dma_semaphore, #tpu.memory_space<semaphore_mem>>) src(%dma_wait3A_220 : memref<10240x32xf32, #tpu.memory_space<vmem_shared>>) dst(%arg11 : memref<128x32xf32, #tpu.memory_space<vmem>>)
        %dma_wait3A_221 = arith.constant 0 : i32
        %dma_wait3A_222 = arith.constant 0 : i32
        %dma_wait3A_223 = tpu.memref_slice %arg4[%arg1, %dma_wait3A_221, %dma_wait3A_222] : memref<16x165x128xi32, #tpu.memory_space<hbm>> -> memref<1x1x128xi32, #tpu.memory_space<hbm>>
        %dma_wait3A_224 = tpu.memref_squeeze %dma_wait3A_223 : memref<1x1x128xi32, #tpu.memory_space<hbm>> -> memref<128xi32, #tpu.memory_space<hbm>>
        %dma_wait3A_225 = arith.constant 0 : i32
        %dma_wait3A_226 = tpu.memref_slice %arg4[%arg1, %dma_wait3A_221, %dma_wait3A_225] : memref<16x165x128xi32, #tpu.memory_space<hbm>> -> memref<1x1x128xi32, #tpu.memory_space<hbm>>
        %dma_wait3A_227 = tpu.memref_squeeze %dma_wait3A_226 : memref<1x1x128xi32, #tpu.memory_space<hbm>> -> memref<128xi32, #tpu.memory_space<hbm>>
        tpu.wait_dma2 semaphore(%arg24 : memref<!tpu.dma_semaphore, #tpu.memory_space<semaphore_mem>>) src(%dma_wait3A_227 : memref<128xi32, #tpu.memory_space<hbm>>) dst(%arg8 : memref<128xi32, #tpu.memory_space<vmem>>)
        %dma_start3A_228 = arith.constant 0 : i32
        %dma_start3A_229 = arith.constant 0 : i32
        %dma_start3A_230 = tpu.memref_slice %arg28[%dma_start3A_228, %dma_start3A_229] : memref<10240x32xf32, #tpu.memory_space<vmem_shared>> -> memref<10240x32xf32, #tpu.memory_space<vmem_shared>>
        tpu.enqueue_indirect_dma source(%arg11 : memref<128x32xf32, #tpu.memory_space<vmem>>) target(%dma_start3A_230 : memref<10240x32xf32, #tpu.memory_space<vmem_shared>>) offsets(%arg8 : memref<128xi32, #tpu.memory_space<vmem>>) semaphore(%arg21 : memref<!tpu.dma_semaphore, #tpu.memory_space<semaphore_mem>>) {add = true}
        %dma_wait3A_231 = arith.constant 0 : i32
        %dma_wait3A_232 = arith.constant 0 : i32
        %dma_wait3A_233 = tpu.memref_slice %arg7[%dma_wait3A_231, %dma_wait3A_232] : memref<165x128xi32, #tpu.memory_space<vmem>> -> memref<1x128xi32, #tpu.memory_space<vmem>>
        %dma_wait3A_234 = tpu.memref_squeeze %dma_wait3A_233 : memref<1x128xi32, #tpu.memory_space<vmem>> -> memref<128xi32, #tpu.memory_space<vmem>>
        %dma_wait3A_235 = arith.constant 0 : i32
        %dma_wait3A_236 = arith.constant 0 : i32
        %dma_wait3A_237 = tpu.memref_slice %arg29[%dma_wait3A_235, %dma_wait3A_236] : memref<10240x32xf32, #tpu.memory_space<vmem_shared>> -> memref<10240x32xf32, #tpu.memory_space<vmem_shared>>
        tpu.wait_indirect_dma semaphore(%arg19 : memref<!tpu.dma_semaphore, #tpu.memory_space<semaphore_mem>>) src(%dma_wait3A_237 : memref<10240x32xf32, #tpu.memory_space<vmem_shared>>) dst(%arg12 : memref<128x32xf32, #tpu.memory_space<vmem>>)
        %dma_wait3A_238 = arith.constant 0 : i32
        %dma_wait3A_239 = arith.constant 0 : i32
        %dma_wait3A_240 = tpu.memref_slice %arg4[%arg1, %dma_wait3A_238, %dma_wait3A_239] : memref<16x165x128xi32, #tpu.memory_space<hbm>> -> memref<1x1x128xi32, #tpu.memory_space<hbm>>
        %dma_wait3A_241 = tpu.memref_squeeze %dma_wait3A_240 : memref<1x1x128xi32, #tpu.memory_space<hbm>> -> memref<128xi32, #tpu.memory_space<hbm>>
        %dma_wait3A_242 = arith.constant 0 : i32
        %dma_wait3A_243 = tpu.memref_slice %arg4[%arg1, %dma_wait3A_238, %dma_wait3A_242] : memref<16x165x128xi32, #tpu.memory_space<hbm>> -> memref<1x1x128xi32, #tpu.memory_space<hbm>>
        %dma_wait3A_244 = tpu.memref_squeeze %dma_wait3A_243 : memref<1x1x128xi32, #tpu.memory_space<hbm>> -> memref<128xi32, #tpu.memory_space<hbm>>
        tpu.wait_dma2 semaphore(%arg25 : memref<!tpu.dma_semaphore, #tpu.memory_space<semaphore_mem>>) src(%dma_wait3A_244 : memref<128xi32, #tpu.memory_space<hbm>>) dst(%arg9 : memref<128xi32, #tpu.memory_space<vmem>>)
        %dma_start3A_245 = arith.constant 0 : i32
        %dma_start3A_246 = arith.constant 0 : i32
        %dma_start3A_247 = tpu.memref_slice %arg28[%dma_start3A_245, %dma_start3A_246] : memref<10240x32xf32, #tpu.memory_space<vmem_shared>> -> memref<10240x32xf32, #tpu.memory_space<vmem_shared>>
        tpu.enqueue_indirect_dma source(%arg12 : memref<128x32xf32, #tpu.memory_space<vmem>>) target(%dma_start3A_247 : memref<10240x32xf32, #tpu.memory_space<vmem_shared>>) offsets(%arg9 : memref<128xi32, #tpu.memory_space<vmem>>) semaphore(%arg22 : memref<!tpu.dma_semaphore, #tpu.memory_space<semaphore_mem>>) {add = true}
        %dma_wait3A_248 = arith.constant 0 : i32
        %dma_wait3A_249 = arith.constant 0 : i32
        %dma_wait3A_250 = tpu.memref_slice %arg7[%dma_wait3A_248, %dma_wait3A_249] : memref<165x128xi32, #tpu.memory_space<vmem>> -> memref<1x128xi32, #tpu.memory_space<vmem>>
        %dma_wait3A_251 = tpu.memref_squeeze %dma_wait3A_250 : memref<1x128xi32, #tpu.memory_space<vmem>> -> memref<128xi32, #tpu.memory_space<vmem>>
        %dma_wait3A_252 = arith.constant 0 : i32
        %dma_wait3A_253 = arith.constant 0 : i32
        %dma_wait3A_254 = tpu.memref_slice %arg29[%dma_wait3A_252, %dma_wait3A_253] : memref<10240x32xf32, #tpu.memory_space<vmem_shared>> -> memref<10240x32xf32, #tpu.memory_space<vmem_shared>>
        tpu.wait_indirect_dma semaphore(%arg20 : memref<!tpu.dma_semaphore, #tpu.memory_space<semaphore_mem>>) src(%dma_wait3A_254 : memref<10240x32xf32, #tpu.memory_space<vmem_shared>>) dst(%arg13 : memref<128x32xf32, #tpu.memory_space<vmem>>)
        %dma_wait3A_255 = arith.constant 0 : i32
        %dma_wait3A_256 = arith.constant 0 : i32
        %dma_wait3A_257 = tpu.memref_slice %arg4[%arg1, %dma_wait3A_255, %dma_wait3A_256] : memref<16x165x128xi32, #tpu.memory_space<hbm>> -> memref<1x1x128xi32, #tpu.memory_space<hbm>>
        %dma_wait3A_258 = tpu.memref_squeeze %dma_wait3A_257 : memref<1x1x128xi32, #tpu.memory_space<hbm>> -> memref<128xi32, #tpu.memory_space<hbm>>
        %dma_wait3A_259 = arith.constant 0 : i32
        %dma_wait3A_260 = tpu.memref_slice %arg4[%arg1, %dma_wait3A_255, %dma_wait3A_259] : memref<16x165x128xi32, #tpu.memory_space<hbm>> -> memref<1x1x128xi32, #tpu.memory_space<hbm>>
        %dma_wait3A_261 = tpu.memref_squeeze %dma_wait3A_260 : memref<1x1x128xi32, #tpu.memory_space<hbm>> -> memref<128xi32, #tpu.memory_space<hbm>>
        tpu.wait_dma2 semaphore(%arg26 : memref<!tpu.dma_semaphore, #tpu.memory_space<semaphore_mem>>) src(%dma_wait3A_261 : memref<128xi32, #tpu.memory_space<hbm>>) dst(%arg10 : memref<128xi32, #tpu.memory_space<vmem>>)
        %dma_start3A_262 = arith.constant 0 : i32
        %dma_start3A_263 = arith.constant 0 : i32
        %dma_start3A_264 = tpu.memref_slice %arg28[%dma_start3A_262, %dma_start3A_263] : memref<10240x32xf32, #tpu.memory_space<vmem_shared>> -> memref<10240x32xf32, #tpu.memory_space<vmem_shared>>
        tpu.enqueue_indirect_dma source(%arg13 : memref<128x32xf32, #tpu.memory_space<vmem>>) target(%dma_start3A_264 : memref<10240x32xf32, #tpu.memory_space<vmem_shared>>) offsets(%arg10 : memref<128xi32, #tpu.memory_space<vmem>>) semaphore(%arg23 : memref<!tpu.dma_semaphore, #tpu.memory_space<semaphore_mem>>) {add = true}
        %dma_wait3A_265 = arith.constant 0 : i32
        %dma_wait3A_266 = arith.constant 0 : i32
        %dma_wait3A_267 = tpu.memref_slice %arg28[%dma_wait3A_265, %dma_wait3A_266] : memref<10240x32xf32, #tpu.memory_space<vmem_shared>> -> memref<10240x32xf32, #tpu.memory_space<vmem_shared>>
        tpu.wait_indirect_dma semaphore(%arg21 : memref<!tpu.dma_semaphore, #tpu.memory_space<semaphore_mem>>) src(%arg11 : memref<128x32xf32, #tpu.memory_space<vmem>>) dst(%dma_wait3A_267 : memref<10240x32xf32, #tpu.memory_space<vmem_shared>>)
        %add3A_268 = arith.constant 0 : i32
        %add3A_269 = arith.addi %mul3A_213, %add3A_268 : i32
        %add3A_270 = arith.constant 3 : i32
        %add3A_271 = arith.addi %add3A_269, %add3A_270 : i32
        %dma_start3A_272 = arith.constant 0 : i32
        %dma_start3A_273 = tpu.memref_slice %arg4[%arg1, %add3A_271, %dma_start3A_272] : memref<16x165x128xi32, #tpu.memory_space<hbm>> -> memref<1x1x128xi32, #tpu.memory_space<hbm>>
        %dma_start3A_274 = tpu.memref_squeeze %dma_start3A_273 : memref<1x1x128xi32, #tpu.memory_space<hbm>> -> memref<128xi32, #tpu.memory_space<hbm>>
        %dma_start3A_275 = arith.constant 0 : i32
        %dma_start3A_276 = tpu.memref_slice %arg4[%arg1, %add3A_271, %dma_start3A_275] : memref<16x165x128xi32, #tpu.memory_space<hbm>> -> memref<1x1x128xi32, #tpu.memory_space<hbm>>
        %dma_start3A_277 = tpu.memref_squeeze %dma_start3A_276 : memref<1x1x128xi32, #tpu.memory_space<hbm>> -> memref<128xi32, #tpu.memory_space<hbm>>
        tpu.enqueue_dma source(%dma_start3A_277 : memref<128xi32, #tpu.memory_space<hbm>>) target(%arg8 : memref<128xi32, #tpu.memory_space<vmem>>) target_semaphore(%arg24 : memref<!tpu.dma_semaphore, #tpu.memory_space<semaphore_mem>>)
        %add3A_278 = arith.constant 0 : i32
        %add3A_279 = arith.addi %mul3A_213, %add3A_278 : i32
        %add3A_280 = arith.constant 3 : i32
        %add3A_281 = arith.addi %add3A_279, %add3A_280 : i32
        %dma_start3A_282 = arith.constant 0 : i32
        %dma_start3A_283 = tpu.memref_slice %arg7[%add3A_281, %dma_start3A_282] : memref<165x128xi32, #tpu.memory_space<vmem>> -> memref<1x128xi32, #tpu.memory_space<vmem>>
        %dma_start3A_284 = tpu.memref_squeeze %dma_start3A_283 : memref<1x128xi32, #tpu.memory_space<vmem>> -> memref<128xi32, #tpu.memory_space<vmem>>
        %dma_start3A_285 = arith.constant 0 : i32
        %dma_start3A_286 = arith.constant 0 : i32
        %dma_start3A_287 = tpu.memref_slice %arg29[%dma_start3A_285, %dma_start3A_286] : memref<10240x32xf32, #tpu.memory_space<vmem_shared>> -> memref<10240x32xf32, #tpu.memory_space<vmem_shared>>
        tpu.enqueue_indirect_dma source(%dma_start3A_287 : memref<10240x32xf32, #tpu.memory_space<vmem_shared>>) target(%arg11 : memref<128x32xf32, #tpu.memory_space<vmem>>) offsets(%dma_start3A_284 : memref<128xi32, #tpu.memory_space<vmem>>) semaphore(%arg18 : memref<!tpu.dma_semaphore, #tpu.memory_space<semaphore_mem>>)
        %dma_wait3A_288 = arith.constant 0 : i32
        %dma_wait3A_289 = arith.constant 0 : i32
        %dma_wait3A_290 = tpu.memref_slice %arg28[%dma_wait3A_288, %dma_wait3A_289] : memref<10240x32xf32, #tpu.memory_space<vmem_shared>> -> memref<10240x32xf32, #tpu.memory_space<vmem_shared>>
        tpu.wait_indirect_dma semaphore(%arg22 : memref<!tpu.dma_semaphore, #tpu.memory_space<semaphore_mem>>) src(%arg12 : memref<128x32xf32, #tpu.memory_space<vmem>>) dst(%dma_wait3A_290 : memref<10240x32xf32, #tpu.memory_space<vmem_shared>>)
        %add3A_291 = arith.constant 1 : i32
        %add3A_292 = arith.addi %mul3A_213, %add3A_291 : i32
        %add3A_293 = arith.constant 3 : i32
        %add3A_294 = arith.addi %add3A_292, %add3A_293 : i32
        %dma_start3A_295 = arith.constant 0 : i32
        %dma_start3A_296 = tpu.memref_slice %arg4[%arg1, %add3A_294, %dma_start3A_295] : memref<16x165x128xi32, #tpu.memory_space<hbm>> -> memref<1x1x128xi32, #tpu.memory_space<hbm>>
        %dma_start3A_297 = tpu.memref_squeeze %dma_start3A_296 : memref<1x1x128xi32, #tpu.memory_space<hbm>> -> memref<128xi32, #tpu.memory_space<hbm>>
        %dma_start3A_298 = arith.constant 0 : i32
        %dma_start3A_299 = tpu.memref_slice %arg4[%arg1, %add3A_294, %dma_start3A_298] : memref<16x165x128xi32, #tpu.memory_space<hbm>> -> memref<1x1x128xi32, #tpu.memory_space<hbm>>
        %dma_start3A_300 = tpu.memref_squeeze %dma_start3A_299 : memref<1x1x128xi32, #tpu.memory_space<hbm>> -> memref<128xi32, #tpu.memory_space<hbm>>
        tpu.enqueue_dma source(%dma_start3A_300 : memref<128xi32, #tpu.memory_space<hbm>>) target(%arg9 : memref<128xi32, #tpu.memory_space<vmem>>) target_semaphore(%arg25 : memref<!tpu.dma_semaphore, #tpu.memory_space<semaphore_mem>>)
        %add3A_301 = arith.constant 1 : i32
        %add3A_302 = arith.addi %mul3A_213, %add3A_301 : i32
        %add3A_303 = arith.constant 3 : i32
        %add3A_304 = arith.addi %add3A_302, %add3A_303 : i32
        %dma_start3A_305 = arith.constant 0 : i32
        %dma_start3A_306 = tpu.memref_slice %arg7[%add3A_304, %dma_start3A_305] : memref<165x128xi32, #tpu.memory_space<vmem>> -> memref<1x128xi32, #tpu.memory_space<vmem>>
        %dma_start3A_307 = tpu.memref_squeeze %dma_start3A_306 : memref<1x128xi32, #tpu.memory_space<vmem>> -> memref<128xi32, #tpu.memory_space<vmem>>
        %dma_start3A_308 = arith.constant 0 : i32
        %dma_start3A_309 = arith.constant 0 : i32
        %dma_start3A_310 = tpu.memref_slice %arg29[%dma_start3A_308, %dma_start3A_309] : memref<10240x32xf32, #tpu.memory_space<vmem_shared>> -> memref<10240x32xf32, #tpu.memory_space<vmem_shared>>
        tpu.enqueue_indirect_dma source(%dma_start3A_310 : memref<10240x32xf32, #tpu.memory_space<vmem_shared>>) target(%arg12 : memref<128x32xf32, #tpu.memory_space<vmem>>) offsets(%dma_start3A_307 : memref<128xi32, #tpu.memory_space<vmem>>) semaphore(%arg19 : memref<!tpu.dma_semaphore, #tpu.memory_space<semaphore_mem>>)
        %dma_wait3A_311 = arith.constant 0 : i32
        %dma_wait3A_312 = arith.constant 0 : i32
        %dma_wait3A_313 = tpu.memref_slice %arg28[%dma_wait3A_311, %dma_wait3A_312] : memref<10240x32xf32, #tpu.memory_space<vmem_shared>> -> memref<10240x32xf32, #tpu.memory_space<vmem_shared>>
        tpu.wait_indirect_dma semaphore(%arg23 : memref<!tpu.dma_semaphore, #tpu.memory_space<semaphore_mem>>) src(%arg13 : memref<128x32xf32, #tpu.memory_space<vmem>>) dst(%dma_wait3A_313 : memref<10240x32xf32, #tpu.memory_space<vmem_shared>>)
        %add3A_314 = arith.constant 2 : i32
        %add3A_315 = arith.addi %mul3A_213, %add3A_314 : i32
        %add3A_316 = arith.constant 3 : i32
        %add3A_317 = arith.addi %add3A_315, %add3A_316 : i32
        %dma_start3A_318 = arith.constant 0 : i32
        %dma_start3A_319 = tpu.memref_slice %arg4[%arg1, %add3A_317, %dma_start3A_318] : memref<16x165x128xi32, #tpu.memory_space<hbm>> -> memref<1x1x128xi32, #tpu.memory_space<hbm>>
        %dma_start3A_320 = tpu.memref_squeeze %dma_start3A_319 : memref<1x1x128xi32, #tpu.memory_space<hbm>> -> memref<128xi32, #tpu.memory_space<hbm>>
        %dma_start3A_321 = arith.constant 0 : i32
        %dma_start3A_322 = tpu.memref_slice %arg4[%arg1, %add3A_317, %dma_start3A_321] : memref<16x165x128xi32, #tpu.memory_space<hbm>> -> memref<1x1x128xi32, #tpu.memory_space<hbm>>
        %dma_start3A_323 = tpu.memref_squeeze %dma_start3A_322 : memref<1x1x128xi32, #tpu.memory_space<hbm>> -> memref<128xi32, #tpu.memory_space<hbm>>
        tpu.enqueue_dma source(%dma_start3A_323 : memref<128xi32, #tpu.memory_space<hbm>>) target(%arg10 : memref<128xi32, #tpu.memory_space<vmem>>) target_semaphore(%arg26 : memref<!tpu.dma_semaphore, #tpu.memory_space<semaphore_mem>>)
        %add3A_324 = arith.constant 2 : i32
        %add3A_325 = arith.addi %mul3A_213, %add3A_324 : i32
        %add3A_326 = arith.constant 3 : i32
        %add3A_327 = arith.addi %add3A_325, %add3A_326 : i32
        %dma_start3A_328 = arith.constant 0 : i32
        %dma_start3A_329 = tpu.memref_slice %arg7[%add3A_327, %dma_start3A_328] : memref<165x128xi32, #tpu.memory_space<vmem>> -> memref<1x128xi32, #tpu.memory_space<vmem>>
        %dma_start3A_330 = tpu.memref_squeeze %dma_start3A_329 : memref<1x128xi32, #tpu.memory_space<vmem>> -> memref<128xi32, #tpu.memory_space<vmem>>
        %dma_start3A_331 = arith.constant 0 : i32
        %dma_start3A_332 = arith.constant 0 : i32
        %dma_start3A_333 = tpu.memref_slice %arg29[%dma_start3A_331, %dma_start3A_332] : memref<10240x32xf32, #tpu.memory_space<vmem_shared>> -> memref<10240x32xf32, #tpu.memory_space<vmem_shared>>
        tpu.enqueue_indirect_dma source(%dma_start3A_333 : memref<10240x32xf32, #tpu.memory_space<vmem_shared>>) target(%arg13 : memref<128x32xf32, #tpu.memory_space<vmem>>) offsets(%dma_start3A_330 : memref<128xi32, #tpu.memory_space<vmem>>) semaphore(%arg20 : memref<!tpu.dma_semaphore, #tpu.memory_space<semaphore_mem>>)
        %scan3A_334 = arith.constant 0 : i32
        scf.yield %scan3A_334 : i32
      }
      %scan3A_148 = arith.constant 54 : i32
      %dma_wait3A_149 = arith.constant 0 : i32
      %dma_wait3A_150 = arith.constant 0 : i32
      %dma_wait3A_151 = tpu.memref_slice %arg7[%dma_wait3A_149, %dma_wait3A_150] : memref<165x128xi32, #tpu.memory_space<vmem>> -> memref<1x128xi32, #tpu.memory_space<vmem>>
      %dma_wait3A_152 = tpu.memref_squeeze %dma_wait3A_151 : memref<1x128xi32, #tpu.memory_space<vmem>> -> memref<128xi32, #tpu.memory_space<vmem>>
      %dma_wait3A_153 = arith.constant 0 : i32
      %dma_wait3A_154 = arith.constant 0 : i32
      %dma_wait3A_155 = tpu.memref_slice %arg29[%dma_wait3A_153, %dma_wait3A_154] : memref<10240x32xf32, #tpu.memory_space<vmem_shared>> -> memref<10240x32xf32, #tpu.memory_space<vmem_shared>>
      tpu.wait_indirect_dma semaphore(%arg18 : memref<!tpu.dma_semaphore, #tpu.memory_space<semaphore_mem>>) src(%dma_wait3A_155 : memref<10240x32xf32, #tpu.memory_space<vmem_shared>>) dst(%arg11 : memref<128x32xf32, #tpu.memory_space<vmem>>)
      %dma_wait3A_156 = arith.constant 0 : i32
      %dma_wait3A_157 = arith.constant 0 : i32
      %dma_wait3A_158 = tpu.memref_slice %arg4[%arg1, %dma_wait3A_156, %dma_wait3A_157] : memref<16x165x128xi32, #tpu.memory_space<hbm>> -> memref<1x1x128xi32, #tpu.memory_space<hbm>>
      %dma_wait3A_159 = tpu.memref_squeeze %dma_wait3A_158 : memref<1x1x128xi32, #tpu.memory_space<hbm>> -> memref<128xi32, #tpu.memory_space<hbm>>
      %dma_wait3A_160 = arith.constant 0 : i32
      %dma_wait3A_161 = tpu.memref_slice %arg4[%arg1, %dma_wait3A_156, %dma_wait3A_160] : memref<16x165x128xi32, #tpu.memory_space<hbm>> -> memref<1x1x128xi32, #tpu.memory_space<hbm>>
      %dma_wait3A_162 = tpu.memref_squeeze %dma_wait3A_161 : memref<1x1x128xi32, #tpu.memory_space<hbm>> -> memref<128xi32, #tpu.memory_space<hbm>>
      tpu.wait_dma2 semaphore(%arg24 : memref<!tpu.dma_semaphore, #tpu.memory_space<semaphore_mem>>) src(%dma_wait3A_162 : memref<128xi32, #tpu.memory_space<hbm>>) dst(%arg8 : memref<128xi32, #tpu.memory_space<vmem>>)
      %dma_wait3A_163 = arith.constant 0 : i32
      %dma_wait3A_164 = arith.constant 0 : i32
      %dma_wait3A_165 = tpu.memref_slice %arg7[%dma_wait3A_163, %dma_wait3A_164] : memref<165x128xi32, #tpu.memory_space<vmem>> -> memref<1x128xi32, #tpu.memory_space<vmem>>
      %dma_wait3A_166 = tpu.memref_squeeze %dma_wait3A_165 : memref<1x128xi32, #tpu.memory_space<vmem>> -> memref<128xi32, #tpu.memory_space<vmem>>
      %dma_wait3A_167 = arith.constant 0 : i32
      %dma_wait3A_168 = arith.constant 0 : i32
      %dma_wait3A_169 = tpu.memref_slice %arg29[%dma_wait3A_167, %dma_wait3A_168] : memref<10240x32xf32, #tpu.memory_space<vmem_shared>> -> memref<10240x32xf32, #tpu.memory_space<vmem_shared>>
      tpu.wait_indirect_dma semaphore(%arg19 : memref<!tpu.dma_semaphore, #tpu.memory_space<semaphore_mem>>) src(%dma_wait3A_169 : memref<10240x32xf32, #tpu.memory_space<vmem_shared>>) dst(%arg12 : memref<128x32xf32, #tpu.memory_space<vmem>>)
      %dma_wait3A_170 = arith.constant 0 : i32
      %dma_wait3A_171 = arith.constant 0 : i32
      %dma_wait3A_172 = tpu.memref_slice %arg4[%arg1, %dma_wait3A_170, %dma_wait3A_171] : memref<16x165x128xi32, #tpu.memory_space<hbm>> -> memref<1x1x128xi32, #tpu.memory_space<hbm>>
      %dma_wait3A_173 = tpu.memref_squeeze %dma_wait3A_172 : memref<1x1x128xi32, #tpu.memory_space<hbm>> -> memref<128xi32, #tpu.memory_space<hbm>>
      %dma_wait3A_174 = arith.constant 0 : i32
      %dma_wait3A_175 = tpu.memref_slice %arg4[%arg1, %dma_wait3A_170, %dma_wait3A_174] : memref<16x165x128xi32, #tpu.memory_space<hbm>> -> memref<1x1x128xi32, #tpu.memory_space<hbm>>
      %dma_wait3A_176 = tpu.memref_squeeze %dma_wait3A_175 : memref<1x1x128xi32, #tpu.memory_space<hbm>> -> memref<128xi32, #tpu.memory_space<hbm>>
      tpu.wait_dma2 semaphore(%arg25 : memref<!tpu.dma_semaphore, #tpu.memory_space<semaphore_mem>>) src(%dma_wait3A_176 : memref<128xi32, #tpu.memory_space<hbm>>) dst(%arg9 : memref<128xi32, #tpu.memory_space<vmem>>)
      %dma_wait3A_177 = arith.constant 0 : i32
      %dma_wait3A_178 = arith.constant 0 : i32
      %dma_wait3A_179 = tpu.memref_slice %arg7[%dma_wait3A_177, %dma_wait3A_178] : memref<165x128xi32, #tpu.memory_space<vmem>> -> memref<1x128xi32, #tpu.memory_space<vmem>>
      %dma_wait3A_180 = tpu.memref_squeeze %dma_wait3A_179 : memref<1x128xi32, #tpu.memory_space<vmem>> -> memref<128xi32, #tpu.memory_space<vmem>>
      %dma_wait3A_181 = arith.constant 0 : i32
      %dma_wait3A_182 = arith.constant 0 : i32
      %dma_wait3A_183 = tpu.memref_slice %arg29[%dma_wait3A_181, %dma_wait3A_182] : memref<10240x32xf32, #tpu.memory_space<vmem_shared>> -> memref<10240x32xf32, #tpu.memory_space<vmem_shared>>
      tpu.wait_indirect_dma semaphore(%arg20 : memref<!tpu.dma_semaphore, #tpu.memory_space<semaphore_mem>>) src(%dma_wait3A_183 : memref<10240x32xf32, #tpu.memory_space<vmem_shared>>) dst(%arg13 : memref<128x32xf32, #tpu.memory_space<vmem>>)
      %dma_wait3A_184 = arith.constant 0 : i32
      %dma_wait3A_185 = arith.constant 0 : i32
      %dma_wait3A_186 = tpu.memref_slice %arg4[%arg1, %dma_wait3A_184, %dma_wait3A_185] : memref<16x165x128xi32, #tpu.memory_space<hbm>> -> memref<1x1x128xi32, #tpu.memory_space<hbm>>
      %dma_wait3A_187 = tpu.memref_squeeze %dma_wait3A_186 : memref<1x1x128xi32, #tpu.memory_space<hbm>> -> memref<128xi32, #tpu.memory_space<hbm>>
      %dma_wait3A_188 = arith.constant 0 : i32
      %dma_wait3A_189 = tpu.memref_slice %arg4[%arg1, %dma_wait3A_184, %dma_wait3A_188] : memref<16x165x128xi32, #tpu.memory_space<hbm>> -> memref<1x1x128xi32, #tpu.memory_space<hbm>>
      %dma_wait3A_190 = tpu.memref_squeeze %dma_wait3A_189 : memref<1x1x128xi32, #tpu.memory_space<hbm>> -> memref<128xi32, #tpu.memory_space<hbm>>
      tpu.wait_dma2 semaphore(%arg26 : memref<!tpu.dma_semaphore, #tpu.memory_space<semaphore_mem>>) src(%dma_wait3A_190 : memref<128xi32, #tpu.memory_space<hbm>>) dst(%arg10 : memref<128xi32, #tpu.memory_space<vmem>>)
      %barrier3A_191 = arith.constant 0 : index
      tpu.barrier barrier_id(%barrier3A_191)
      "tpu.region"() ({
        %run_scoped3A = tpu.sem_alloc : memref<!tpu.dma_semaphore, #tpu.memory_space<semaphore_mem>>
        %dma_start3A_210 = arith.constant 0 : i32
        %dma_start3A_211 = tpu.memref_slice %arg28[%mul3A_0, %dma_start3A_210] : memref<10240x32xf32, #tpu.memory_space<vmem_shared>> -> memref<640x32xf32, #tpu.memory_space<vmem_shared>>
        %dma_start3A_212 = arith.constant 0 : i32
        %dma_start3A_213 = tpu.memref_slice %arg28[%mul3A_0, %dma_start3A_212] : memref<10240x32xf32, #tpu.memory_space<vmem_shared>> -> memref<640x32xf32, #tpu.memory_space<vmem_shared>>
        tpu.enqueue_dma source(%dma_start3A_213 : memref<640x32xf32, #tpu.memory_space<vmem_shared>>) target(%arg15 : memref<640x32xf32, #tpu.memory_space<vmem>>) target_semaphore(%run_scoped3A : memref<!tpu.dma_semaphore, #tpu.memory_space<semaphore_mem>>)
        %dma_wait3A_214 = arith.constant 0 : i32
        %dma_wait3A_215 = tpu.memref_slice %arg28[%mul3A_0, %dma_wait3A_214] : memref<10240x32xf32, #tpu.memory_space<vmem_shared>> -> memref<640x32xf32, #tpu.memory_space<vmem_shared>>
        %dma_wait3A_216 = arith.constant 0 : i32
        %dma_wait3A_217 = tpu.memref_slice %arg28[%mul3A_0, %dma_wait3A_216] : memref<10240x32xf32, #tpu.memory_space<vmem_shared>> -> memref<640x32xf32, #tpu.memory_space<vmem_shared>>
        tpu.wait_dma2 semaphore(%run_scoped3A : memref<!tpu.dma_semaphore, #tpu.memory_space<semaphore_mem>>) src(%dma_wait3A_217 : memref<640x32xf32, #tpu.memory_space<vmem_shared>>) dst(%arg15 : memref<640x32xf32, #tpu.memory_space<vmem>>)
        tpu.yield
      }) : () -> ()
      %add3A_192 = arith.constant 0 : i32
      %add3A_193 = arith.addi %mul3A_0, %add3A_192 : i32
      "tpu.region"() ({
        %run_scoped3A = tpu.sem_alloc : memref<!tpu.dma_semaphore, #tpu.memory_space<semaphore_mem>>
        %dma_start3A_210 = arith.constant 0 : i32
        %dma_start3A_211 = tpu.memref_slice %arg28[%add3A_193, %dma_start3A_210] : memref<10240x32xf32, #tpu.memory_space<vmem_shared>> -> memref<128x32xf32, #tpu.memory_space<vmem_shared>>
        %dma_start3A_212 = arith.constant 0 : i32
        %dma_start3A_213 = tpu.memref_slice %arg28[%add3A_193, %dma_start3A_212] : memref<10240x32xf32, #tpu.memory_space<vmem_shared>> -> memref<128x32xf32, #tpu.memory_space<vmem_shared>>
        tpu.enqueue_dma source(%arg14 : memref<128x32xf32, #tpu.memory_space<vmem>>) target(%dma_start3A_213 : memref<128x32xf32, #tpu.memory_space<vmem_shared>>) target_semaphore(%run_scoped3A : memref<!tpu.dma_semaphore, #tpu.memory_space<semaphore_mem>>)
        %dma_wait3A_214 = arith.constant 0 : i32
        %dma_wait3A_215 = tpu.memref_slice %arg28[%add3A_193, %dma_wait3A_214] : memref<10240x32xf32, #tpu.memory_space<vmem_shared>> -> memref<128x32xf32, #tpu.memory_space<vmem_shared>>
        %dma_wait3A_216 = arith.constant 0 : i32
        %dma_wait3A_217 = tpu.memref_slice %arg28[%add3A_193, %dma_wait3A_216] : memref<10240x32xf32, #tpu.memory_space<vmem_shared>> -> memref<128x32xf32, #tpu.memory_space<vmem_shared>>
        tpu.wait_dma2 semaphore(%run_scoped3A : memref<!tpu.dma_semaphore, #tpu.memory_space<semaphore_mem>>) src(%arg14 : memref<128x32xf32, #tpu.memory_space<vmem>>) dst(%dma_wait3A_217 : memref<128x32xf32, #tpu.memory_space<vmem_shared>>)
        tpu.yield
      }) : () -> ()
      %add3A_194 = arith.constant 128 : i32
      %add3A_195 = arith.addi %mul3A_0, %add3A_194 : i32
      "tpu.region"() ({
        %run_scoped3A = tpu.sem_alloc : memref<!tpu.dma_semaphore, #tpu.memory_space<semaphore_mem>>
        %dma_start3A_210 = arith.constant 0 : i32
        %dma_start3A_211 = tpu.memref_slice %arg28[%add3A_195, %dma_start3A_210] : memref<10240x32xf32, #tpu.memory_space<vmem_shared>> -> memref<128x32xf32, #tpu.memory_space<vmem_shared>>
        %dma_start3A_212 = arith.constant 0 : i32
        %dma_start3A_213 = tpu.memref_slice %arg28[%add3A_195, %dma_start3A_212] : memref<10240x32xf32, #tpu.memory_space<vmem_shared>> -> memref<128x32xf32, #tpu.memory_space<vmem_shared>>
        tpu.enqueue_dma source(%arg14 : memref<128x32xf32, #tpu.memory_space<vmem>>) target(%dma_start3A_213 : memref<128x32xf32, #tpu.memory_space<vmem_shared>>) target_semaphore(%run_scoped3A : memref<!tpu.dma_semaphore, #tpu.memory_space<semaphore_mem>>)
        %dma_wait3A_214 = arith.constant 0 : i32
        %dma_wait3A_215 = tpu.memref_slice %arg28[%add3A_195, %dma_wait3A_214] : memref<10240x32xf32, #tpu.memory_space<vmem_shared>> -> memref<128x32xf32, #tpu.memory_space<vmem_shared>>
        %dma_wait3A_216 = arith.constant 0 : i32
        %dma_wait3A_217 = tpu.memref_slice %arg28[%add3A_195, %dma_wait3A_216] : memref<10240x32xf32, #tpu.memory_space<vmem_shared>> -> memref<128x32xf32, #tpu.memory_space<vmem_shared>>
        tpu.wait_dma2 semaphore(%run_scoped3A : memref<!tpu.dma_semaphore, #tpu.memory_space<semaphore_mem>>) src(%arg14 : memref<128x32xf32, #tpu.memory_space<vmem>>) dst(%dma_wait3A_217 : memref<128x32xf32, #tpu.memory_space<vmem_shared>>)
        tpu.yield
      }) : () -> ()
      %add3A_196 = arith.constant 256 : i32
      %add3A_197 = arith.addi %mul3A_0, %add3A_196 : i32
      "tpu.region"() ({
        %run_scoped3A = tpu.sem_alloc : memref<!tpu.dma_semaphore, #tpu.memory_space<semaphore_mem>>
        %dma_start3A_210 = arith.constant 0 : i32
        %dma_start3A_211 = tpu.memref_slice %arg28[%add3A_197, %dma_start3A_210] : memref<10240x32xf32, #tpu.memory_space<vmem_shared>> -> memref<128x32xf32, #tpu.memory_space<vmem_shared>>
        %dma_start3A_212 = arith.constant 0 : i32
        %dma_start3A_213 = tpu.memref_slice %arg28[%add3A_197, %dma_start3A_212] : memref<10240x32xf32, #tpu.memory_space<vmem_shared>> -> memref<128x32xf32, #tpu.memory_space<vmem_shared>>
        tpu.enqueue_dma source(%arg14 : memref<128x32xf32, #tpu.memory_space<vmem>>) target(%dma_start3A_213 : memref<128x32xf32, #tpu.memory_space<vmem_shared>>) target_semaphore(%run_scoped3A : memref<!tpu.dma_semaphore, #tpu.memory_space<semaphore_mem>>)
        %dma_wait3A_214 = arith.constant 0 : i32
        %dma_wait3A_215 = tpu.memref_slice %arg28[%add3A_197, %dma_wait3A_214] : memref<10240x32xf32, #tpu.memory_space<vmem_shared>> -> memref<128x32xf32, #tpu.memory_space<vmem_shared>>
        %dma_wait3A_216 = arith.constant 0 : i32
        %dma_wait3A_217 = tpu.memref_slice %arg28[%add3A_197, %dma_wait3A_216] : memref<10240x32xf32, #tpu.memory_space<vmem_shared>> -> memref<128x32xf32, #tpu.memory_space<vmem_shared>>
        tpu.wait_dma2 semaphore(%run_scoped3A : memref<!tpu.dma_semaphore, #tpu.memory_space<semaphore_mem>>) src(%arg14 : memref<128x32xf32, #tpu.memory_space<vmem>>) dst(%dma_wait3A_217 : memref<128x32xf32, #tpu.memory_space<vmem_shared>>)
        tpu.yield
      }) : () -> ()
      %add3A_198 = arith.constant 384 : i32
      %add3A_199 = arith.addi %mul3A_0, %add3A_198 : i32
      "tpu.region"() ({
        %run_scoped3A = tpu.sem_alloc : memref<!tpu.dma_semaphore, #tpu.memory_space<semaphore_mem>>
        %dma_start3A_210 = arith.constant 0 : i32
        %dma_start3A_211 = tpu.memref_slice %arg28[%add3A_199, %dma_start3A_210] : memref<10240x32xf32, #tpu.memory_space<vmem_shared>> -> memref<128x32xf32, #tpu.memory_space<vmem_shared>>
        %dma_start3A_212 = arith.constant 0 : i32
        %dma_start3A_213 = tpu.memref_slice %arg28[%add3A_199, %dma_start3A_212] : memref<10240x32xf32, #tpu.memory_space<vmem_shared>> -> memref<128x32xf32, #tpu.memory_space<vmem_shared>>
        tpu.enqueue_dma source(%arg14 : memref<128x32xf32, #tpu.memory_space<vmem>>) target(%dma_start3A_213 : memref<128x32xf32, #tpu.memory_space<vmem_shared>>) target_semaphore(%run_scoped3A : memref<!tpu.dma_semaphore, #tpu.memory_space<semaphore_mem>>)
        %dma_wait3A_214 = arith.constant 0 : i32
        %dma_wait3A_215 = tpu.memref_slice %arg28[%add3A_199, %dma_wait3A_214] : memref<10240x32xf32, #tpu.memory_space<vmem_shared>> -> memref<128x32xf32, #tpu.memory_space<vmem_shared>>
        %dma_wait3A_216 = arith.constant 0 : i32
        %dma_wait3A_217 = tpu.memref_slice %arg28[%add3A_199, %dma_wait3A_216] : memref<10240x32xf32, #tpu.memory_space<vmem_shared>> -> memref<128x32xf32, #tpu.memory_space<vmem_shared>>
        tpu.wait_dma2 semaphore(%run_scoped3A : memref<!tpu.dma_semaphore, #tpu.memory_space<semaphore_mem>>) src(%arg14 : memref<128x32xf32, #tpu.memory_space<vmem>>) dst(%dma_wait3A_217 : memref<128x32xf32, #tpu.memory_space<vmem_shared>>)
        tpu.yield
      }) : () -> ()
      %add3A_200 = arith.constant 512 : i32
      %add3A_201 = arith.addi %mul3A_0, %add3A_200 : i32
      "tpu.region"() ({
        %run_scoped3A = tpu.sem_alloc : memref<!tpu.dma_semaphore, #tpu.memory_space<semaphore_mem>>
        %dma_start3A_210 = arith.constant 0 : i32
        %dma_start3A_211 = tpu.memref_slice %arg28[%add3A_201, %dma_start3A_210] : memref<10240x32xf32, #tpu.memory_space<vmem_shared>> -> memref<128x32xf32, #tpu.memory_space<vmem_shared>>
        %dma_start3A_212 = arith.constant 0 : i32
        %dma_start3A_213 = tpu.memref_slice %arg28[%add3A_201, %dma_start3A_212] : memref<10240x32xf32, #tpu.memory_space<vmem_shared>> -> memref<128x32xf32, #tpu.memory_space<vmem_shared>>
        tpu.enqueue_dma source(%arg14 : memref<128x32xf32, #tpu.memory_space<vmem>>) target(%dma_start3A_213 : memref<128x32xf32, #tpu.memory_space<vmem_shared>>) target_semaphore(%run_scoped3A : memref<!tpu.dma_semaphore, #tpu.memory_space<semaphore_mem>>)
        %dma_wait3A_214 = arith.constant 0 : i32
        %dma_wait3A_215 = tpu.memref_slice %arg28[%add3A_201, %dma_wait3A_214] : memref<10240x32xf32, #tpu.memory_space<vmem_shared>> -> memref<128x32xf32, #tpu.memory_space<vmem_shared>>
        %dma_wait3A_216 = arith.constant 0 : i32
        %dma_wait3A_217 = tpu.memref_slice %arg28[%add3A_201, %dma_wait3A_216] : memref<10240x32xf32, #tpu.memory_space<vmem_shared>> -> memref<128x32xf32, #tpu.memory_space<vmem_shared>>
        tpu.wait_dma2 semaphore(%run_scoped3A : memref<!tpu.dma_semaphore, #tpu.memory_space<semaphore_mem>>) src(%arg14 : memref<128x32xf32, #tpu.memory_space<vmem>>) dst(%dma_wait3A_217 : memref<128x32xf32, #tpu.memory_space<vmem_shared>>)
        tpu.yield
      }) : () -> ()
      %lt3A = arith.constant 9 : i32
      %lt3A_202 = arith.cmpi slt, %scan3A_92, %lt3A : i32
      %convert_element_type3A = arith.extui %lt3A_202 : i1 to i32
      %cond3A = arith.constant 0 : i32
      %cond3A_203 = arith.cmpi ne, %convert_element_type3A, %cond3A : i32
      scf.if %cond3A_203 {
        %dma_wait3A_210 = arith.constant 0 : i32
        %dma_wait3A_211 = tpu.memref_slice %arg2[%arg0, %mul3A_0, %dma_wait3A_210] : memref<2x10240x32xf32, #tpu.memory_space<hbm>> -> memref<1x640x32xf32, #tpu.memory_space<hbm>>
        %dma_wait3A_212 = tpu.memref_squeeze %dma_wait3A_211 : memref<1x640x32xf32, #tpu.memory_space<hbm>> -> memref<640x32xf32, #tpu.memory_space<hbm>>
        %dma_wait3A_213 = arith.constant 0 : i32
        %dma_wait3A_214 = tpu.memref_slice %arg2[%arg0, %mul3A_0, %dma_wait3A_213] : memref<2x10240x32xf32, #tpu.memory_space<hbm>> -> memref<1x640x32xf32, #tpu.memory_space<hbm>>
        %dma_wait3A_215 = tpu.memref_squeeze %dma_wait3A_214 : memref<1x640x32xf32, #tpu.memory_space<hbm>> -> memref<640x32xf32, #tpu.memory_space<hbm>>
        tpu.wait_dma2 semaphore(%arg27 : memref<!tpu.dma_semaphore, #tpu.memory_space<semaphore_mem>>) src(%dma_wait3A_215 : memref<640x32xf32, #tpu.memory_space<hbm>>) dst(%arg16 : memref<640x32xf32, #tpu.memory_space<vmem>>)
        %scan3A_216 = arith.constant 0 : i32
        %scan3A_217 = arith.constant 0 : i32
        %scan3A_218 = arith.constant 640 : i32
        %scan3A_219 = arith.addi %scan3A_217, %scan3A_218 : i32
        %scan3A_220 = arith.constant 1 : i32
        %scan3A_221 = scf.for %scan3A_223 = %scan3A_217 to %scan3A_219 step %scan3A_220 iter_args(%scan3A_224 = %scan3A_216) -> (i32)  : i32 {
          %get3A = arith.index_cast %scan3A_223 : i32 to index
          %get3A_225 = arith.constant 0 : index
          %get3A_226 = tpu.vector_load %arg17[%get3A, %get3A_225] {strides = array<i32>} : memref<640x16xf32, #tpu.memory_space<vmem>>, vector<1x16xf32>,
          %get3A_227 = vector.shape_cast %get3A_226 : vector<1x16xf32> to vector<16xf32>
          %mul3A_228 = arith.constant 0.899999976 : f32
          %mul3A_229 = vector.broadcast %mul3A_228 : f32 to vector<16xf32>
          %mul3A_230 = arith.mulf %mul3A_229, %get3A_227 : vector<16xf32>
          %mul3A_231 = arith.mulf %mul3A_230, %get3A_227 : vector<16xf32>
          %mul3A_232 = arith.constant 1.000000e-01 : f32
          %mul3A_233 = vector.broadcast %mul3A_232 : f32 to vector<16xf32>
          %mul3A_234 = arith.mulf %mul3A_233, %get3A_227 : vector<16xf32>
          %get3A_235 = arith.index_cast %scan3A_223 : i32 to index
          %get3A_236 = arith.constant 0 : index
          %get3A_237 = tpu.vector_load %arg15[%get3A_235, %get3A_236] {strides = array<i32>} : memref<640x32xf32, #tpu.memory_space<vmem>>, vector<1x16xf32>,
          %get3A_238 = vector.shape_cast %get3A_237 : vector<1x16xf32> to vector<16xf32>
          %mul3A_239 = arith.mulf %mul3A_231, %get3A_238 : vector<16xf32>
          %get3A_240 = arith.index_cast %scan3A_223 : i32 to index
          %get3A_241 = arith.constant 0 : index
          %get3A_242 = tpu.vector_load %arg16[%get3A_240, %get3A_241] {strides = array<i32>} : memref<640x32xf32, #tpu.memory_space<vmem>>, vector<1x16xf32>,
          %get3A_243 = vector.shape_cast %get3A_242 : vector<1x16xf32> to vector<16xf32>
          %mul3A_244 = arith.mulf %mul3A_234, %get3A_243 : vector<16xf32>
          %add3A_245 = arith.addf %mul3A_239, %mul3A_244 : vector<16xf32>
          %swap3A = arith.index_cast %scan3A_223 : i32 to index
          %swap3A_246 = arith.constant 0 : index
          %swap3A_247 = tpu.vector_load %arg15[%swap3A, %swap3A_246] {strides = array<i32>} : memref<640x32xf32, #tpu.memory_space<vmem>>, vector<1x16xf32>,
          %swap3A_248 = vector.shape_cast %swap3A_247 : vector<1x16xf32> to vector<16xf32>
          %swap3A_249 = vector.shape_cast %add3A_245 : vector<16xf32> to vector<1x16xf32>
          tpu.vector_store %arg15[%swap3A, %swap3A_246], %swap3A_249 {strides = array<i32>} : memref<640x32xf32, #tpu.memory_space<vmem>>, vector<1x16xf32>,
          %get3A_250 = arith.index_cast %scan3A_223 : i32 to index
          %get3A_251 = arith.constant 16 : index
          %get3A_252 = tpu.vector_load %arg15[%get3A_250, %get3A_251] {strides = array<i32>} : memref<640x32xf32, #tpu.memory_space<vmem>>, vector<1x16xf32>,
          %get3A_253 = vector.shape_cast %get3A_252 : vector<1x16xf32> to vector<16xf32>
          %mul3A_254 = arith.mulf %mul3A_231, %get3A_253 : vector<16xf32>
          %get3A_255 = arith.index_cast %scan3A_223 : i32 to index
          %get3A_256 = arith.constant 16 : index
          %get3A_257 = tpu.vector_load %arg16[%get3A_255, %get3A_256] {strides = array<i32>} : memref<640x32xf32, #tpu.memory_space<vmem>>, vector<1x16xf32>,
          %get3A_258 = vector.shape_cast %get3A_257 : vector<1x16xf32> to vector<16xf32>
          %mul3A_259 = arith.mulf %mul3A_234, %get3A_258 : vector<16xf32>
          %add3A_260 = arith.addf %mul3A_254, %mul3A_259 : vector<16xf32>
          %swap3A_261 = arith.index_cast %scan3A_223 : i32 to index
          %swap3A_262 = arith.constant 16 : index
          %swap3A_263 = tpu.vector_load %arg15[%swap3A_261, %swap3A_262] {strides = array<i32>} : memref<640x32xf32, #tpu.memory_space<vmem>>, vector<1x16xf32>,
          %swap3A_264 = vector.shape_cast %swap3A_263 : vector<1x16xf32> to vector<16xf32>
          %swap3A_265 = vector.shape_cast %add3A_260 : vector<16xf32> to vector<1x16xf32>
          tpu.vector_store %arg15[%swap3A_261, %swap3A_262], %swap3A_265 {strides = array<i32>} : memref<640x32xf32, #tpu.memory_space<vmem>>, vector<1x16xf32>,
          %scan3A_266 = arith.constant 0 : i32
          scf.yield %scan3A_266 : i32
        }
        %scan3A_222 = arith.constant 640 : i32
        "tpu.region"() ({
          %run_scoped3A = tpu.sem_alloc : memref<!tpu.dma_semaphore, #tpu.memory_space<semaphore_mem>>
          %dma_start3A_223 = arith.constant 0 : i32
          %dma_start3A_224 = tpu.memref_slice %arg29[%mul3A_0, %dma_start3A_223] : memref<10240x32xf32, #tpu.memory_space<vmem_shared>> -> memref<640x32xf32, #tpu.memory_space<vmem_shared>>
          %dma_start3A_225 = arith.constant 0 : i32
          %dma_start3A_226 = tpu.memref_slice %arg29[%mul3A_0, %dma_start3A_225] : memref<10240x32xf32, #tpu.memory_space<vmem_shared>> -> memref<640x32xf32, #tpu.memory_space<vmem_shared>>
          tpu.enqueue_dma source(%arg15 : memref<640x32xf32, #tpu.memory_space<vmem>>) target(%dma_start3A_226 : memref<640x32xf32, #tpu.memory_space<vmem_shared>>) target_semaphore(%run_scoped3A : memref<!tpu.dma_semaphore, #tpu.memory_space<semaphore_mem>>)
          %dma_wait3A_227 = arith.constant 0 : i32
          %dma_wait3A_228 = tpu.memref_slice %arg29[%mul3A_0, %dma_wait3A_227] : memref<10240x32xf32, #tpu.memory_space<vmem_shared>> -> memref<640x32xf32, #tpu.memory_space<vmem_shared>>
          %dma_wait3A_229 = arith.constant 0 : i32
          %dma_wait3A_230 = tpu.memref_slice %arg29[%mul3A_0, %dma_wait3A_229] : memref<10240x32xf32, #tpu.memory_space<vmem_shared>> -> memref<640x32xf32, #tpu.memory_space<vmem_shared>>
          tpu.wait_dma2 semaphore(%run_scoped3A : memref<!tpu.dma_semaphore, #tpu.memory_space<semaphore_mem>>) src(%arg15 : memref<640x32xf32, #tpu.memory_space<vmem>>) dst(%dma_wait3A_230 : memref<640x32xf32, #tpu.memory_space<vmem_shared>>)
          tpu.yield
        }) : () -> ()
      } else {
      }
      %eq3A = arith.constant 9 : i32
      %eq3A_204 = arith.cmpi eq, %scan3A_92, %eq3A : i32
      %convert_element_type3A_205 = arith.extui %eq3A_204 : i1 to i32
      %cond3A_206 = arith.constant 0 : i32
      %cond3A_207 = arith.cmpi ne, %convert_element_type3A_205, %cond3A_206 : i32
      scf.if %cond3A_207 {
        %dma_wait3A_210 = arith.constant 0 : i32
        %dma_wait3A_211 = tpu.memref_slice %arg2[%arg0, %mul3A_0, %dma_wait3A_210] : memref<2x10240x32xf32, #tpu.memory_space<hbm>> -> memref<1x640x32xf32, #tpu.memory_space<hbm>>
        %dma_wait3A_212 = tpu.memref_squeeze %dma_wait3A_211 : memref<1x640x32xf32, #tpu.memory_space<hbm>> -> memref<640x32xf32, #tpu.memory_space<hbm>>
        %dma_wait3A_213 = arith.constant 0 : i32
        %dma_wait3A_214 = tpu.memref_slice %arg2[%arg0, %mul3A_0, %dma_wait3A_213] : memref<2x10240x32xf32, #tpu.memory_space<hbm>> -> memref<1x640x32xf32, #tpu.memory_space<hbm>>
        %dma_wait3A_215 = tpu.memref_squeeze %dma_wait3A_214 : memref<1x640x32xf32, #tpu.memory_space<hbm>> -> memref<640x32xf32, #tpu.memory_space<hbm>>
        tpu.wait_dma2 semaphore(%arg27 : memref<!tpu.dma_semaphore, #tpu.memory_space<semaphore_mem>>) src(%dma_wait3A_215 : memref<640x32xf32, #tpu.memory_space<hbm>>) dst(%arg16 : memref<640x32xf32, #tpu.memory_space<vmem>>)
        %scan3A_216 = arith.constant 0 : i32
        %scan3A_217 = arith.constant 0 : i32
        %scan3A_218 = arith.constant 640 : i32
        %scan3A_219 = arith.addi %scan3A_217, %scan3A_218 : i32
        %scan3A_220 = arith.constant 1 : i32
        %scan3A_221 = scf.for %scan3A_230 = %scan3A_217 to %scan3A_219 step %scan3A_220 iter_args(%scan3A_231 = %scan3A_216) -> (i32)  : i32 {
          %get3A = arith.index_cast %scan3A_230 : i32 to index
          %get3A_232 = arith.constant 0 : index
          %get3A_233 = tpu.vector_load %arg17[%get3A, %get3A_232] {strides = array<i32>} : memref<640x16xf32, #tpu.memory_space<vmem>>, vector<1x16xf32>,
          %get3A_234 = vector.shape_cast %get3A_233 : vector<1x16xf32> to vector<16xf32>
          %get3A_235 = arith.index_cast %scan3A_230 : i32 to index
          %get3A_236 = arith.constant 0 : index
          %get3A_237 = tpu.vector_load %arg15[%get3A_235, %get3A_236] {strides = array<i32>} : memref<640x32xf32, #tpu.memory_space<vmem>>, vector<1x16xf32>,
          %get3A_238 = vector.shape_cast %get3A_237 : vector<1x16xf32> to vector<16xf32>
          %mul3A_239 = arith.constant 0.899999976 : f32
          %mul3A_240 = vector.broadcast %mul3A_239 : f32 to vector<16xf32>
          %mul3A_241 = arith.mulf %mul3A_240, %get3A_234 : vector<16xf32>
          %mul3A_242 = arith.mulf %mul3A_241, %get3A_238 : vector<16xf32>
          %get3A_243 = arith.index_cast %scan3A_230 : i32 to index
          %get3A_244 = arith.constant 0 : index
          %get3A_245 = tpu.vector_load %arg16[%get3A_243, %get3A_244] {strides = array<i32>} : memref<640x32xf32, #tpu.memory_space<vmem>>, vector<1x16xf32>,
          %get3A_246 = vector.shape_cast %get3A_245 : vector<1x16xf32> to vector<16xf32>
          %mul3A_247 = arith.constant 1.000000e-01 : f32
          %mul3A_248 = vector.broadcast %mul3A_247 : f32 to vector<16xf32>
          %mul3A_249 = arith.mulf %mul3A_248, %get3A_246 : vector<16xf32>
          %add3A_250 = arith.addf %mul3A_242, %mul3A_249 : vector<16xf32>
          %swap3A = arith.index_cast %scan3A_230 : i32 to index
          %swap3A_251 = arith.constant 0 : index
          %swap3A_252 = tpu.vector_load %arg15[%swap3A, %swap3A_251] {strides = array<i32>} : memref<640x32xf32, #tpu.memory_space<vmem>>, vector<1x16xf32>,
          %swap3A_253 = vector.shape_cast %swap3A_252 : vector<1x16xf32> to vector<16xf32>
          %swap3A_254 = vector.shape_cast %add3A_250 : vector<16xf32> to vector<1x16xf32>
          tpu.vector_store %arg15[%swap3A, %swap3A_251], %swap3A_254 {strides = array<i32>} : memref<640x32xf32, #tpu.memory_space<vmem>>, vector<1x16xf32>,
          %get3A_255 = arith.index_cast %scan3A_230 : i32 to index
          %get3A_256 = arith.constant 16 : index
          %get3A_257 = tpu.vector_load %arg15[%get3A_255, %get3A_256] {strides = array<i32>} : memref<640x32xf32, #tpu.memory_space<vmem>>, vector<1x16xf32>,
          %get3A_258 = vector.shape_cast %get3A_257 : vector<1x16xf32> to vector<16xf32>
          %mul3A_259 = arith.constant 0.899999976 : f32
          %mul3A_260 = vector.broadcast %mul3A_259 : f32 to vector<16xf32>
          %mul3A_261 = arith.mulf %mul3A_260, %get3A_234 : vector<16xf32>
          %mul3A_262 = arith.mulf %mul3A_261, %get3A_258 : vector<16xf32>
          %get3A_263 = arith.index_cast %scan3A_230 : i32 to index
          %get3A_264 = arith.constant 16 : index
          %get3A_265 = tpu.vector_load %arg16[%get3A_263, %get3A_264] {strides = array<i32>} : memref<640x32xf32, #tpu.memory_space<vmem>>, vector<1x16xf32>,
          %get3A_266 = vector.shape_cast %get3A_265 : vector<1x16xf32> to vector<16xf32>
          %mul3A_267 = arith.constant 1.000000e-01 : f32
          %mul3A_268 = vector.broadcast %mul3A_267 : f32 to vector<16xf32>
          %mul3A_269 = arith.mulf %mul3A_268, %get3A_266 : vector<16xf32>
          %add3A_270 = arith.addf %mul3A_262, %mul3A_269 : vector<16xf32>
          %swap3A_271 = arith.index_cast %scan3A_230 : i32 to index
          %swap3A_272 = arith.constant 16 : index
          %swap3A_273 = tpu.vector_load %arg15[%swap3A_271, %swap3A_272] {strides = array<i32>} : memref<640x32xf32, #tpu.memory_space<vmem>>, vector<1x16xf32>,
          %swap3A_274 = vector.shape_cast %swap3A_273 : vector<1x16xf32> to vector<16xf32>
          %swap3A_275 = vector.shape_cast %add3A_270 : vector<16xf32> to vector<1x16xf32>
          tpu.vector_store %arg15[%swap3A_271, %swap3A_272], %swap3A_275 {strides = array<i32>} : memref<640x32xf32, #tpu.memory_space<vmem>>, vector<1x16xf32>,
          %scan3A_276 = arith.constant 0 : i32
          scf.yield %scan3A_276 : i32
        }
        %scan3A_222 = arith.constant 640 : i32
        "tpu.region"() ({
          %run_scoped3A = tpu.sem_alloc : memref<!tpu.dma_semaphore, #tpu.memory_space<semaphore_mem>>
          %dma_start3A_230 = arith.constant 0 : i32
          %dma_start3A_231 = tpu.memref_slice %arg3[%arg0, %mul3A_0, %dma_start3A_230] : memref<2x10240x32xf32, #tpu.memory_space<hbm>> -> memref<1x640x32xf32, #tpu.memory_space<hbm>>
          %dma_start3A_232 = tpu.memref_squeeze %dma_start3A_231 : memref<1x640x32xf32, #tpu.memory_space<hbm>> -> memref<640x32xf32, #tpu.memory_space<hbm>>
          %dma_start3A_233 = arith.constant 0 : i32
          %dma_start3A_234 = tpu.memref_slice %arg3[%arg0, %mul3A_0, %dma_start3A_233] : memref<2x10240x32xf32, #tpu.memory_space<hbm>> -> memref<1x640x32xf32, #tpu.memory_space<hbm>>
          %dma_start3A_235 = tpu.memref_squeeze %dma_start3A_234 : memref<1x640x32xf32, #tpu.memory_space<hbm>> -> memref<640x32xf32, #tpu.memory_space<hbm>>
          tpu.enqueue_dma source(%dma_start3A_235 : memref<640x32xf32, #tpu.memory_space<hbm>>) target(%arg16 : memref<640x32xf32, #tpu.memory_space<vmem>>) target_semaphore(%run_scoped3A : memref<!tpu.dma_semaphore, #tpu.memory_space<semaphore_mem>>)
          %dma_wait3A_236 = arith.constant 0 : i32
          %dma_wait3A_237 = tpu.memref_slice %arg3[%arg0, %mul3A_0, %dma_wait3A_236] : memref<2x10240x32xf32, #tpu.memory_space<hbm>> -> memref<1x640x32xf32, #tpu.memory_space<hbm>>
          %dma_wait3A_238 = tpu.memref_squeeze %dma_wait3A_237 : memref<1x640x32xf32, #tpu.memory_space<hbm>> -> memref<640x32xf32, #tpu.memory_space<hbm>>
          %dma_wait3A_239 = arith.constant 0 : i32
          %dma_wait3A_240 = tpu.memref_slice %arg3[%arg0, %mul3A_0, %dma_wait3A_239] : memref<2x10240x32xf32, #tpu.memory_space<hbm>> -> memref<1x640x32xf32, #tpu.memory_space<hbm>>
          %dma_wait3A_241 = tpu.memref_squeeze %dma_wait3A_240 : memref<1x640x32xf32, #tpu.memory_space<hbm>> -> memref<640x32xf32, #tpu.memory_space<hbm>>
          tpu.wait_dma2 semaphore(%run_scoped3A : memref<!tpu.dma_semaphore, #tpu.memory_space<semaphore_mem>>) src(%dma_wait3A_241 : memref<640x32xf32, #tpu.memory_space<hbm>>) dst(%arg16 : memref<640x32xf32, #tpu.memory_space<vmem>>)
          tpu.yield
        }) : () -> ()
        %scan3A_223 = arith.constant 0 : i32
        %scan3A_224 = arith.constant 0 : i32
        %scan3A_225 = arith.constant 640 : i32
        %scan3A_226 = arith.addi %scan3A_224, %scan3A_225 : i32
        %scan3A_227 = arith.constant 1 : i32
        %scan3A_228 = scf.for %scan3A_230 = %scan3A_224 to %scan3A_226 step %scan3A_227 iter_args(%scan3A_231 = %scan3A_223) -> (i32)  : i32 {
          %get3A = arith.index_cast %scan3A_230 : i32 to index
          %get3A_232 = arith.constant 0 : index
          %get3A_233 = tpu.vector_load %arg15[%get3A, %get3A_232] {strides = array<i32>} : memref<640x32xf32, #tpu.memory_space<vmem>>, vector<1x16xf32>,
          %get3A_234 = vector.shape_cast %get3A_233 : vector<1x16xf32> to vector<16xf32>
          %get3A_235 = arith.index_cast %scan3A_230 : i32 to index
          %get3A_236 = arith.constant 0 : index
          %get3A_237 = tpu.vector_load %arg16[%get3A_235, %get3A_236] {strides = array<i32>} : memref<640x32xf32, #tpu.memory_space<vmem>>, vector<1x16xf32>,
          %get3A_238 = vector.shape_cast %get3A_237 : vector<1x16xf32> to vector<16xf32>
          %add3A_239 = arith.addf %get3A_234, %get3A_238 : vector<16xf32>
          %swap3A = arith.index_cast %scan3A_230 : i32 to index
          %swap3A_240 = arith.constant 0 : index
          %swap3A_241 = tpu.vector_load %arg15[%swap3A, %swap3A_240] {strides = array<i32>} : memref<640x32xf32, #tpu.memory_space<vmem>>, vector<1x16xf32>,
          %swap3A_242 = vector.shape_cast %swap3A_241 : vector<1x16xf32> to vector<16xf32>
          %swap3A_243 = vector.shape_cast %add3A_239 : vector<16xf32> to vector<1x16xf32>
          tpu.vector_store %arg15[%swap3A, %swap3A_240], %swap3A_243 {strides = array<i32>} : memref<640x32xf32, #tpu.memory_space<vmem>>, vector<1x16xf32>,
          %get3A_244 = arith.index_cast %scan3A_230 : i32 to index
          %get3A_245 = arith.constant 16 : index
          %get3A_246 = tpu.vector_load %arg15[%get3A_244, %get3A_245] {strides = array<i32>} : memref<640x32xf32, #tpu.memory_space<vmem>>, vector<1x16xf32>,
          %get3A_247 = vector.shape_cast %get3A_246 : vector<1x16xf32> to vector<16xf32>
          %get3A_248 = arith.index_cast %scan3A_230 : i32 to index
          %get3A_249 = arith.constant 16 : index
          %get3A_250 = tpu.vector_load %arg16[%get3A_248, %get3A_249] {strides = array<i32>} : memref<640x32xf32, #tpu.memory_space<vmem>>, vector<1x16xf32>,
          %get3A_251 = vector.shape_cast %get3A_250 : vector<1x16xf32> to vector<16xf32>
          %add3A_252 = arith.addf %get3A_247, %get3A_251 : vector<16xf32>
          %swap3A_253 = arith.index_cast %scan3A_230 : i32 to index
          %swap3A_254 = arith.constant 16 : index
          %swap3A_255 = tpu.vector_load %arg15[%swap3A_253, %swap3A_254] {strides = array<i32>} : memref<640x32xf32, #tpu.memory_space<vmem>>, vector<1x16xf32>,
          %swap3A_256 = vector.shape_cast %swap3A_255 : vector<1x16xf32> to vector<16xf32>
          %swap3A_257 = vector.shape_cast %add3A_252 : vector<16xf32> to vector<1x16xf32>
          tpu.vector_store %arg15[%swap3A_253, %swap3A_254], %swap3A_257 {strides = array<i32>} : memref<640x32xf32, #tpu.memory_space<vmem>>, vector<1x16xf32>,
          %scan3A_258 = arith.constant 0 : i32
          scf.yield %scan3A_258 : i32
        }
        %scan3A_229 = arith.constant 640 : i32
        "tpu.region"() ({
          %run_scoped3A = tpu.sem_alloc : memref<!tpu.dma_semaphore, #tpu.memory_space<semaphore_mem>>
          %dma_start3A_230 = arith.constant 0 : i32
          %dma_start3A_231 = tpu.memref_slice %arg6[%arg0, %mul3A_0, %dma_start3A_230] : memref<2x10240x32xf32, #tpu.memory_space<hbm>> -> memref<1x640x32xf32, #tpu.memory_space<hbm>>
          %dma_start3A_232 = tpu.memref_squeeze %dma_start3A_231 : memref<1x640x32xf32, #tpu.memory_space<hbm>> -> memref<640x32xf32, #tpu.memory_space<hbm>>
          %dma_start3A_233 = arith.constant 0 : i32
          %dma_start3A_234 = tpu.memref_slice %arg6[%arg0, %mul3A_0, %dma_start3A_233] : memref<2x10240x32xf32, #tpu.memory_space<hbm>> -> memref<1x640x32xf32, #tpu.memory_space<hbm>>
          %dma_start3A_235 = tpu.memref_squeeze %dma_start3A_234 : memref<1x640x32xf32, #tpu.memory_space<hbm>> -> memref<640x32xf32, #tpu.memory_space<hbm>>
          tpu.enqueue_dma source(%arg15 : memref<640x32xf32, #tpu.memory_space<vmem>>) target(%dma_start3A_235 : memref<640x32xf32, #tpu.memory_space<hbm>>) target_semaphore(%run_scoped3A : memref<!tpu.dma_semaphore, #tpu.memory_space<semaphore_mem>>)
          %dma_wait3A_236 = arith.constant 0 : i32
          %dma_wait3A_237 = tpu.memref_slice %arg6[%arg0, %mul3A_0, %dma_wait3A_236] : memref<2x10240x32xf32, #tpu.memory_space<hbm>> -> memref<1x640x32xf32, #tpu.memory_space<hbm>>
          %dma_wait3A_238 = tpu.memref_squeeze %dma_wait3A_237 : memref<1x640x32xf32, #tpu.memory_space<hbm>> -> memref<640x32xf32, #tpu.memory_space<hbm>>
          %dma_wait3A_239 = arith.constant 0 : i32
          %dma_wait3A_240 = tpu.memref_slice %arg6[%arg0, %mul3A_0, %dma_wait3A_239] : memref<2x10240x32xf32, #tpu.memory_space<hbm>> -> memref<1x640x32xf32, #tpu.memory_space<hbm>>
          %dma_wait3A_241 = tpu.memref_squeeze %dma_wait3A_240 : memref<1x640x32xf32, #tpu.memory_space<hbm>> -> memref<640x32xf32, #tpu.memory_space<hbm>>
          tpu.wait_dma2 semaphore(%run_scoped3A : memref<!tpu.dma_semaphore, #tpu.memory_space<semaphore_mem>>) src(%arg15 : memref<640x32xf32, #tpu.memory_space<vmem>>) dst(%dma_wait3A_241 : memref<640x32xf32, #tpu.memory_space<hbm>>)
          tpu.yield
        }) : () -> ()
      } else {
      }
      %barrier3A_208 = arith.constant 0 : index
      tpu.barrier barrier_id(%barrier3A_208)
      %scan3A_209 = arith.constant 0 : i32
      scf.yield %scan3A_209 : i32
    }
    %scan3A_91 = arith.constant 10 : i32
    return
  }
}

module attributes {stable_mosaic.version = 14 : i64} {
  func.func @_dense_tc_kernel(%arg0: memref<10000x128xf32, #tpu.memory_space<vmem>>, %arg1: memref<10000x128xf32, #tpu.memory_space<vmem>>, %arg2: memref<64x128xf32, #tpu.memory_space<vmem>>, %arg3: memref<64x64xf32, #tpu.memory_space<vmem>>, %arg4: memref<10000x64xf32, #tpu.memory_space<vmem>>, %arg5: memref<10000x64xf32, #tpu.memory_space<vmem>>) attributes {dimension_semantics = [], scalar_prefetch = 0 : i64, scratch_operands = 0 : i64, tpu.core_type = #tpu.core_type<tc>} {
    %get3A = arith.constant 0 : index
    %get3A_0 = arith.constant 0 : index
    %get3A_1 = vector.load %arg2[%get3A, %get3A_0] : memref<64x128xf32, #tpu.memory_space<vmem>>, vector<64x128xf32>
    %get3A_2 = arith.constant 0 : index
    %get3A_3 = arith.constant 0 : index
    %get3A_4 = vector.load %arg3[%get3A_2, %get3A_3] : memref<64x64xf32, #tpu.memory_space<vmem>>, vector<64x64xf32>
    %get3A_5 = arith.constant 0 : index
    %get3A_6 = arith.constant 0 : index
    %get3A_7 = vector.load %arg0[%get3A_5, %get3A_6] : memref<10000x128xf32, #tpu.memory_space<vmem>>, vector<10000x128xf32>
    %dot_general3A = arith.constant dense<0.000000e+00> : vector<10000x64xf32>
    %dot_general3A_8 = tpu.matmul %get3A_7, %get3A_1, %dot_general3A {dimension_numbers = #tpu.dot_dimension_numbers<[1], [1], [0], [0], [0, 0, 1, 0], [], []>, transpose_lhs_hint = false} : vector<10000x128xf32>, vector<64x128xf32>, vector<10000x64xf32> -> vector<10000x64xf32>
    %max3A = arith.constant 0.000000e+00 : f32
    %max3A_9 = vector.broadcast %max3A : f32 to vector<10000x64xf32>
    %max3A_10 = arith.maximumf %dot_general3A_8, %max3A_9 : vector<10000x64xf32>
    %dot_general3A_11 = arith.constant dense<0.000000e+00> : vector<10000x64xf32>
    %dot_general3A_12 = tpu.matmul %max3A_10, %get3A_4, %dot_general3A_11 {dimension_numbers = #tpu.dot_dimension_numbers<[1], [1], [0], [0], [0, 0, 1, 0], [], []>, transpose_lhs_hint = false} : vector<10000x64xf32>, vector<64x64xf32>, vector<10000x64xf32> -> vector<10000x64xf32>
    %swap3A = arith.constant 0 : index
    %swap3A_13 = arith.constant 0 : index
    %swap3A_14 = vector.load %arg4[%swap3A, %swap3A_13] : memref<10000x64xf32, #tpu.memory_space<vmem>>, vector<10000x64xf32>
    tpu.vector_store %arg4[%swap3A, %swap3A_13], %dot_general3A_12 {strides = array<i32>} : memref<10000x64xf32, #tpu.memory_space<vmem>>, vector<10000x64xf32>,
    %get3A_15 = arith.constant 0 : index
    %get3A_16 = arith.constant 0 : index
    %get3A_17 = vector.load %arg1[%get3A_15, %get3A_16] : memref<10000x128xf32, #tpu.memory_space<vmem>>, vector<10000x128xf32>
    %dot_general3A_18 = arith.constant dense<0.000000e+00> : vector<10000x64xf32>
    %dot_general3A_19 = tpu.matmul %get3A_17, %get3A_1, %dot_general3A_18 {dimension_numbers = #tpu.dot_dimension_numbers<[1], [1], [0], [0], [0, 0, 1, 0], [], []>, transpose_lhs_hint = false} : vector<10000x128xf32>, vector<64x128xf32>, vector<10000x64xf32> -> vector<10000x64xf32>
    %max3A_20 = arith.constant 0.000000e+00 : f32
    %max3A_21 = vector.broadcast %max3A_20 : f32 to vector<10000x64xf32>
    %max3A_22 = arith.maximumf %dot_general3A_19, %max3A_21 : vector<10000x64xf32>
    %dot_general3A_23 = arith.constant dense<0.000000e+00> : vector<10000x64xf32>
    %dot_general3A_24 = tpu.matmul %max3A_22, %get3A_4, %dot_general3A_23 {dimension_numbers = #tpu.dot_dimension_numbers<[1], [1], [0], [0], [0, 0, 1, 0], [], []>, transpose_lhs_hint = false} : vector<10000x64xf32>, vector<64x64xf32>, vector<10000x64xf32> -> vector<10000x64xf32>
    %swap3A_25 = arith.constant 0 : index
    %swap3A_26 = arith.constant 0 : index
    %swap3A_27 = vector.load %arg5[%swap3A_25, %swap3A_26] : memref<10000x64xf32, #tpu.memory_space<vmem>>, vector<10000x64xf32>
    tpu.vector_store %arg5[%swap3A_25, %swap3A_26], %dot_general3A_24 {strides = array<i32>} : memref<10000x64xf32, #tpu.memory_space<vmem>>, vector<10000x64xf32>,
    return
  }
}

</mosaic_0001>

<sc_bundles>
// kernel: kernel.4.cloned.1.call-start
scs
__scs_entry_jumppad:
0x0: {  	(pc) =	sbr.rel $0x88, $3  }
0x1: {  	(tag) =	ssettag $0x0;
	lr =	simm.s32 $0x1  }
0x2: {  	[smem:$0x3F9C] =	sst lr;
	_ =	strace $0xD0000000  }
0x3: {  	_ = 	snop  }
0x4: {  	_ = 	snop  }
0x5: {  	_ = 	snop  }
0x6: {  	_ = 	snop  }
0x7: {  	_ = 	snop  }
__scs_overlays_trampoline_lowered:
0x8: {  	[smem:$0x3FAB] =	sst s0  }
0x9: {  	[smem:$0x3FAC] =	sst s1  }
0xa: {  	[smem:$0x3FAD] =	sst s2  }
0xb: {  	[smem:$0x3FAE] =	sst s3  }
0xc: {  	[smem:$0x3FAF] =	sst s4  }
0xd: {  	[smem:$0x3FB0] =	sst s5  }
0xe: {  	[smem:$0x3FB1] =	sst s6  }
0xf: {  	[smem:$0x3FB2] =	sst s7  }
0x10: {  	[smem:$0x3FB3] =	sst s8  }
0x11: {  	[smem:$0x3FB4] =	sst s9;
	s0 =	simm.s32 @!p0 $0x0  }
0x12: {  	s1 =	sld [smem:$0x3F9A];
	s0 =	simm.s32 @p0 $0x1  }
0x13: {  	[smem:$0x3FB5] =	sst s0;
	s0 =	simm.s32 @!p1 $0x0  }
0x14: {  	s2 =	sld [smem:$0x3F99];
	s0 =	simm.s32 @p1 $0x1  }
0x15: {  	[smem:$0x3FB6] =	sst s0;
	s0 =	simm.s32 @!p2 $0x0  }
0x16: {  	s3 =	sld [smem:$0x3FDB];
	s0 =	simm.s32 @p2 $0x1  }
0x17: {  	s4 =	simm.s32 $0x1BF5;
	[smem:$0x3FB8] =	sst s0  }
0x18: {  	s0 =	sld [smem:$0x3F9B];
	_ =	swait.ge [sflag:s4], $0x0  }
0x19: {  	s7 =	sld [smem:$0x3F9C]  }
0x1a: {  	s8 =	sadd.s32 $0xFFFFE003, lr  }
0x1b: {  	s9 =	sadd.s32 $0xFFFFFEF7, lr;
	s5 =	simm.s32 $0xFFFFFFFF;
	p2 =	slt.u32 s8, $0xFFFFF086  }
0x1c: {  	p1 =	slt.u32 s9, $0xF7A;
	s5 =	simm.s32 @!p2 $0x0  }
0x1d: {  	s5 =	simm.s32 @p1 $0x1;
	p0 =	seq.s32 s7, s2  }
0x1e: {  	s7 =	smul.u32 @!p0 $0xF7A, s2;
	p2 =	seq.s32 @!p0 s5, $0x0  }
0x1f: {  	s9 =	smul.u32 $0xF7A, s1;
	s8 =	simm.s32 @!p0 $0x1BF5;
	p2 =	por !p2, p0  }
0x20: {  	[sflag:s8] =	ssyncset.s32 @!p0 $0xFFFFF086;
	s6 =	sadd.s32 @!p0 s3, s7;
	s7 =	simm.s32 @!p0 $0x108  }
0x21: {  	s3 =	sadd.s32 s3, s9;
	s6 =	sadd.s32 @!p0 $0x88, s6;
	s7 =	simm.s32 @p2 $0x1082  }
0x22: {  	[simem:s7], [sflag:s8] =	dma.local @!p0 [hbm:s6], $0xF7A  }
0x23: {  	s9 =	sor.u32 $0xD0000000, s2;
	s6 =	simm.s32 $0x108;
	_ =	swait.ge @!p0 [sflag:s8], $0x0  }
0x24: {  	s3 =	sadd.s32 $0x88, s3;
	s6 =	simm.s32 @!p1 $0x1082;
	[sflag:s4] =	ssyncset.s32 $0xFFFFF086  }
0x25: {  	[simem:s6], [sflag:s4] =	dma.local [hbm:s3], $0xF7A  }
0x26: {  	[smem:$0x3F9C] =	sst s1;
	(tag) =	ssettag s2;
	_ =	strace s9  }
0x27: {  	s1 =	sld [smem:$0x3FAC]  }
0x28: {  	s2 =	sld [smem:$0x3FAD]  }
0x29: {  	s4 =	sld [smem:$0x3FAF]  }
0x2a: {  	p0 =	seq.s32 s5, $0x0;
	s5 =	sld [smem:$0x3FB0]  }
0x2b: {  	s6 =	sld [smem:$0x3FB1]  }
0x2c: {  	s7 =	sld [smem:$0x3FB2]  }
0x2d: {  	s3 =	simm.s32 $0x108;
	s8 =	sld [smem:$0x3FB3]  }
0x2e: {  	s3 =	simm.s32 @!p0 $0x1082;
	s9 =	sld [smem:$0x3FB4]  }
0x2f: {  	lr =	sadd.s32 s0, s3;
	s0 =	sld [smem:$0x3FAB]  }
0x30: {  	s3 =	sld [smem:$0x3FAE]  }
0x31: {  	[smem:$0x3FB7] =	sst s10  }
0x32: {  	s10 =	sld [smem:$0x3FB5];
	_ =	sdelay $0x3  }
0x33: {  	p0 =	seq.s32 s10, $0x1;
	s10 =	sld [smem:$0x3FB7];
	_ =	sdelay $0x3  }
0x34: {  	[smem:$0x3FB7] =	sst s10  }
0x35: {  	s10 =	sld [smem:$0x3FB6];
	_ =	sdelay $0x3  }
0x36: {  	p1 =	seq.s32 s10, $0x1;
	s10 =	sld [smem:$0x3FB7];
	_ =	sdelay $0x3  }
0x37: {  	[smem:$0x3FB7] =	sst s10  }
0x38: {  	s10 =	sld [smem:$0x3FB8]  }
0x39: {  	_ = 	snop;
	(pc) =	sbr.ind lr, $3  }
0x3a: {  	_ = 	snop  }
0x3b: {  	_ = 	snop  }
0x3c: {  	p2 =	seq.s32 s10, $0x1;
	s10 =	sld [smem:$0x3FB7]  }
0x3d: {  	_ =	shalt  }
0x3e: {  	_ =	shalt  }
0x3f: {  	_ =	shalt  }
0x40: {  	_ =	shalt  }
0x41: {  	_ =	shalt  }
0x42: {  	_ =	shalt  }
0x43: {  	_ =	shalt  }
0x44: {  	_ =	shalt  }
0x45: {  	_ =	shalt  }
0x46: {  	_ =	shalt  }
0x47: {  	_ =	shalt  }
0x48: {  	_ =	shalt  }
0x49: {  	_ =	shalt  }
0x4a: {  	_ =	shalt  }
0x4b: {  	_ =	shalt  }
0x4c: {  	_ =	shalt  }
0x4d: {  	_ =	shalt  }
0x4e: {  	_ =	shalt  }
0x4f: {  	_ =	shalt  }
0x50: {  	_ =	shalt  }
0x51: {  	_ =	shalt  }
0x52: {  	_ =	shalt  }
0x53: {  	_ =	shalt  }
0x54: {  	_ =	shalt  }
0x55: {  	_ =	shalt  }
0x56: {  	_ =	shalt  }
0x57: {  	_ =	shalt  }
0x58: {  	_ =	shalt  }
0x59: {  	_ =	shalt  }
0x5a: {  	_ =	shalt  }
0x5b: {  	_ =	shalt  }
0x5c: {  	_ =	shalt  }
0x5d: {  	_ =	shalt  }
0x5e: {  	_ =	shalt  }
0x5f: {  	_ =	shalt  }
0x60: {  	_ =	shalt  }
0x61: {  	_ =	shalt  }
0x62: {  	_ =	shalt  }
0x63: {  	_ =	shalt  }
0x64: {  	_ =	shalt  }
0x65: {  	_ =	shalt  }
0x66: {  	_ =	shalt  }
0x67: {  	_ =	shalt  }
0x68: {  	_ =	shalt  }
0x69: {  	_ =	shalt  }
0x6a: {  	_ =	shalt  }
0x6b: {  	_ =	shalt  }
0x6c: {  	_ =	shalt  }
0x6d: {  	_ =	shalt  }
0x6e: {  	_ =	shalt  }
0x6f: {  	_ =	shalt  }
0x70: {  	_ =	shalt  }
0x71: {  	_ =	shalt  }
0x72: {  	_ =	shalt  }
0x73: {  	_ =	shalt  }
0x74: {  	_ =	shalt  }
0x75: {  	_ =	shalt  }
0x76: {  	_ =	shalt  }
0x77: {  	_ =	shalt  }
0x78: {  	_ =	shalt  }
0x79: {  	_ =	shalt  }
0x7a: {  	_ =	shalt  }
0x7b: {  	_ =	shalt  }
0x7c: {  	_ =	shalt  }
0x7d: {  	_ =	shalt  }
0x7e: {  	_ =	shalt  }
0x7f: {  	_ =	shalt  }
0x80: {  	_ =	shalt  }
0x81: {  	_ =	shalt  }
0x82: {  	_ =	shalt  }
0x83: {  	_ =	shalt  }
0x84: {  	_ =	shalt  }
0x85: {  	_ =	shalt  }
0x86: {  	_ =	shalt  }
0x87: {  	_ =	shalt  }
.Lfunc_end0:
.L_simem_size_0:
called_computation_lowered:
.L_overlay_start_0:
0x88: {  	s2 =	sld [smem:$0x3FD9]  }
0x89: {  	s3 =	sld [smem:$0x3FFE];
	_ =	sdelay $0x1  }
0x8a: {  	s1 =	srdreg.scid  }
0x8b: {  	s0 =	sand.u32 $0x1, s1  }
0x8c: {  	s17 =	sshll.u32 s0, $0xA;
	s2 =	sadd.s32 s3, s2  }
0x8d: {  	s2 =	sadd.s32 s2, s17  }
0x8e: {  	[smem:$0x3FC3] =	sst s2  }
0x8f: {  	_ = 	snop  }
0x90: {  	s2 =	sld [smem:$0x3FD0];
	(tm) =	ssettm $0x1  }
0x91: {  	s18 =	sld [smem:$0x3FFB];
	_ =	sdelay $0x3  }
0x92: {  	_ =	strace s18  }
0x93: {  	s3 =	sld [smem:$0x3FFC];
	_ =	sdelay $0x3  }
0x94: {  	_ =	strace s3  }
0x95: {  	s3 =	sld [smem:$0x3FFD];
	_ =	sdelay $0x3  }
0x96: {  	_ =	strace s3  }
0x97: {  	_ =	strace $0x8FFFFFFF  }
0x98: {  	s19 =	sld [smem:$0x3FDB];
	_ =	sdelay $0x1  }
0x99: {  	s4 =	simm.s32 $_scs_section_size  }
0x9a: {  	s5 =	simm.s32 $_size__tile_overlayer_lowered;
	s6 =	simm.s32 $_tile_overlayer_lowered  }
0x9b: {  	s22 =	simm.s32 $0x1BFF;
	s21 =	sshll.u32 s6, $0x1;
	s3 =	sadd.s32 s4, s19  }
0x9c: {  	s7 =	simm.s32 $0x0;
	s20 =	sshll.u32 s5, $0x1;
	s5 =	sadd.s32 s21, s3  }
0x9d: {  	[timem:s7], [sflag:s22] =	dma.local [hbm:s5], s20  }
0x9e: {  	_ =	swait.ge [sflag:s22], s20  }
0x9f: {  	s4 =	ssub.s32 $0x0, s20;
	[sflag:s22] =	ssyncset.done $0x0  }
0xa0: {  	[sflag:s22] =	ssyncadd.s32 s4;
	_ =	sdelay $0x1  }
0xa1: {  	s23 =	simm.s32 $0x1B8B  }
0xa2: {  	_ =	swait.ge [sflag:s23], $0x1  }
0xa3: {  	[sflag:s23] =	ssyncset.done $0x0  }
0xa4: {  	s25 =	simm.s32 $0x1B8E;
	s24 =	sld [smem:$0x3FFE];
	[sflag:s23] =	ssyncadd.s32 $0xFFFFFFFF  }
0xa5: {  	s26 =	simm.s32 $execute0_lowered;
	[smem:$0x3FD2] =	sst s25  }
0xa6: {  	s5 =	sshll.u32 s26, $0x1;
	_ =	strace $0x80000046;
	[dreg:$0x1] =	wrdreg $0xFFFFFFFF  }
0xa7: {  	s28 =	simm.s32 $_size_execute0_lowered;
	s3 =	sadd.s32 s3, s5;
	[dreg:$0x0] =	wrdreg $0x0  }
0xa8: {  	s5 =	sshll.u32 s28, $0x1;
	[dreg:$0x2] =	wrdreg s3  }
0xa9: {  	[dreg:$0x3] =	wrdreg s5  }
0xaa: {  	[dreg:$0x4] =	wrdreg $0xC0  }
0xab: {  	_ =	task [dreg:s7], $0x5FFFF  }
0xac: {  	[dreg:$0x1] =	wrdreg $0xFFFFFFFF  }
0xad: {  	[dreg:$0x0] =	wrdreg $0x60  }
0xae: {  	[dreg:$0x2] =	wrdreg s24  }
0xaf: {  	[dreg:$0x3] =	wrdreg s2  }
0xb0: {  	[dreg:$0x4] =	wrdreg $0x15C000  }
0xb1: {  	[dreg:$0x5] =	wrdreg $0x1AC000  }
0xb2: {  	[dreg:$0x6] =	wrdreg $0x9  }
0xb3: {  	_ =	task.clear_ibuf [dreg:s7], $0x7FFFF;
	_ =	strace $0x90000046  }
0xb4: {  	s29 =	simm.s32 $0x9;
	_ =	strace $0x80000048  }
0xb5: {  	_ =	swait.ge [sflag:s29], $0x1  }
0xb6: {  	[sflag:s29] =	ssyncadd.s32 $0xFFFFFFFF  }
0xb7: {  	_ =	strace $0x90000048  }
0xb8: {  	_ =	sfence  }
0xb9: {  	s30 =	sld [smem:$0x0];
	_ =	sdelay $0x2  }
0xba: {  	s31 =	sshll.u32 s1, $0xD;
	s1 =	sshrl.u32 s1, $0x2  }
0xbb: {  	s3 =	sand.u32 $0x4000, s31;
	s1 =	sadd.s32 s1, s30  }
0xbc: {  	s0 =	sor.u32 s3, s0;
	s1 =	sshll.u32 s1, $0x11  }
0xbd: {  	s0 =	sor.u32 s1, s0  }
0xbe: {  	s0 =	sadd.s32 $0x8F2B, s0  }
0xbf: {  	[sflag:s0] =	ssyncadd.remote.s32 $0x1  }
0xc0: {  	_ =	sfence.sel $0xFFFF  }
0xc1: {  	[dreg:$0x0] =	wrdreg $0xFFFFFFFF;
	(pc) =	sbr.abs _section_cstart, $3  }
0xc2: {  	[dreg:$0x1] =	wrdreg $0xFFFFFFFF  }
0xc3: {  	_ =	task.clear_ibuf [dreg:s7], $0x2FFFF;
	_ =	strace $0x9FFFFFFF  }
0xc4: {  	(tm) =	ssettm $0x7FFFFFFF  }
0xc5: {  	_ =	shalt  }
tec
execute0_lowered:
.L_overlay_start_1:
0x0: {  	(tag) =	ssettag $0x1  }
0x1: {  	s0 =	rddreg [dreg:$0x0]  }
0x2: {  	s1 =	rddreg [dreg:$0x1]  }
0x3: {  	s2 =	rddreg [dreg:$0x2]  }
0x4: {  	s3 =	rddreg [dreg:$0x3];
	s11 =	stileid.u32  }
0x5: {  	s6 =	srdreg.scid;
	s4 =	simm.s32 $0x0;
	s28 =	simm.s32 $0x80  }
0x6: {  	s29 =	simm.s32 $0x5400;
	s30 =	simm.s32 $0x8;
	s5 =	smul.u32 $0x5280, s11  }
0x7: {  	s31 =	simm.s32 $0x9;
	s15 =	simm.s32 $0x1;
	s7 =	smul.u32 $0x5000, s11  }
0x8: {  	s12 =	simm.s32 $0x2;
	s13 =	simm.s32 $0xA;
	s9 =	smul.u32 $0x14000, s11  }
0x9: {  	s6 =	sand.u32 $0x1, s6;
	[smem:$0x7FF] =	sst s4;
	s23 =	smul.u32 $0xA50, s11  }
0xa: {  	s11 =	simm.s32 $0x3;
	_ =	strace $0x80000047;
	s5 =	sshrl.u32 s5, $0x3  }
0xb: {  	s9 =	sshrl.u32 s9, $0x2;
	s10 =	sadd.s32 s5, s0;
	s5 =	sadd.s32 s1, s5  }
0xc: {  	s9 =	sadd.s32 s9, s2;
	s18 =	sadd.s32 $0x1200, s10;
	[dreg:$0xa] =	wrdreg s5  }
0xd: {  	s8 =	smul.u32 $0x50000, s6;
	s19 =	sadd.s32 $0x1000, s9;
	[dreg:$0x5] =	wrdreg s18  }
0xe: {  	s6 =	ssub.s32 $0x2, s6;
	s20 =	sadd.s32 $0x2000, s9;
	[dreg:$0x6] =	wrdreg s19  }
0xf: {  	s17 =	sshrl.u32 s6, $0x1;
	s21 =	sadd.s32 $0x3000, s9;
	[dreg:$0x7] =	wrdreg s20  }
0x10: {  	s8 =	sadd.s32 s7, s8;
	s9 =	sadd.s32 $0x4000, s9;
	[dreg:$0x8] =	wrdreg s21  }
0x11: {  	s8 =	sshrl.u32 s8, $0x3;
	s22 =	sadd.s32 $0x10, s5;
	[dreg:$0x9] =	wrdreg s9  }
0x12: {  	s5 =	sadd.s32 $0x20, s5;
	s0 =	sadd.s32 s8, s0;
	[dreg:$0xb] =	wrdreg s22  }
0x13: {  	s8 =	ssub.s32 s6, s17;
	s6 =	sadd.s32 s7, s2;
	[dreg:$0xc] =	wrdreg s5  }
0x14: {  	s7 =	sadd.s32 s7, s3;
	s19 =	sadd.s32 s23, s1;
	s21 =	simm.s32 $0xB  }
0x15: {  	s22 =	simm.s32 $0x8400;
	s23 =	simm.s32 $0x5280;
	s1 =	simm.s32 $0x5  }
0x16: {  	s5 =	simm.s32 $0x6;
	s24 =	sadd.s32 $0x1F800, s0;
	[dreg:$0xe] =	wrdreg s7  }
0x17: {  	s18 =	simm.s32 $0x6400;
	s25 =	sadd.s32 $0xB800, s0;
	[dreg:$0xd] =	wrdreg s24  }
0x18: {  	s17 =	simm.s32 $0x7400;
	s0 =	sadd.s32 $0x33800, s0;
	[dreg:$0xf] =	wrdreg s25  }
0x19: {  	s9 =	simm.s32 $0x0;
	s26 =	smax.u32 s8, $0x1;
	[dreg:$0x10] =	wrdreg s0  }
0x1a: {  	s20 =	sadd.s32 $0x50, s19;
	[dreg:$0x11] =	wrdreg s26;
	s24 =	simm.s32 $0x5300  }
0x1b: {  	v0 =	vimm.f32 $1.000000000e+00;
	v1 =	vimm.f32 $0.0e+00;
	s25 =	simm.s32 $0x5380;
	s26 =	simm.s32 $0x7;
	s0 =	simm.s32 $0x4  }
.LBB2_1:
0x1c: {  	[dreg:$0x12] =	wrdreg s9  }
0x1d: {  	s7 =	rddreg [dreg:$0x5]  }
0x1e: {  	[tilespmem:s4], [sflag:$0xB] =	stream.linear.gather [hbm4b:s7+s4], $0x5280, $0x38;
	[tilespmem:$0x1FC00] =	vst v63  }
0x1f: {  	_ =	swait.ge [sflag:s21], $0x5280  }
0x20: {  	[sflag:s21] =	ssyncset.done $0x0  }
0x21: {  	s8 =	simm.s32 $0x80;
	s7 =	simm.s32 $0x0;
	[sflag:s21] =	ssyncadd.s32 $0xFFFFAD80  }
.LBB2_2:
0x22: {  	p0 =	sne.s32 s8, $0x3F80;
	[tilespmem:s7+$0x8410] =	vst v1;
	s9 =	smov.u32 s8;
	s8 =	sadd.s32 $0x80, s8  }
.Ltmp0:
0x23: {  	[tilespmem:s7+$0x8400] =	vst v1;
	(pc) =	sbr.rel @p0 .LBB2_2-.Ltmp0, $3  }
0x24: {  	[tilespmem:s7+$0x5400] =	vst v0  }
0x25: {  	[tilespmem:s7+$0x5410] =	vst v0;
	_ =	sdelay $0x1  }
0x26: {  	s7 =	sshra.s32 s9, $0x2  }
0x27: {  	[tilespmem:s7+$0x8410] =	vst v1  }
0x28: {  	[tilespmem:s7+$0x8400] =	vst v1  }
0x29: {  	[tilespmem:s7+$0x5400] =	vst v0  }
0x2a: {  	[tilespmem:s7+$0x5410] =	vst v0  }
0x2b: {  	[spmem:s6] =	stream.linear.scatter [tilespmem:s22], [sflag:$0xB], $0x1000, $0x38;
	[tilespmem:$0x1FC00] =	vst v63  }
0x2c: {  	_ =	swait.ge [sflag:s21], $0x1000  }
0x2d: {  	[sflag:s21] =	ssyncset.done $0x0  }
0x2e: {  	s9 =	rddreg [dreg:$0x6];
	[sflag:s21] =	ssyncadd.s32 $0xFFFFF000  }
0x2f: {  	[spmem:s9] =	stream.linear.scatter [tilespmem:s22], [sflag:$0xB], $0x1000, $0x38;
	[tilespmem:$0x1FC00] =	vst v63  }
0x30: {  	_ =	swait.ge [sflag:s21], $0x1000  }
0x31: {  	[sflag:s21] =	ssyncset.done $0x0  }
0x32: {  	s10 =	rddreg [dreg:$0x7];
	[sflag:s21] =	ssyncadd.s32 $0xFFFFF000  }
0x33: {  	[spmem:s10] =	stream.linear.scatter [tilespmem:s22], [sflag:$0xB], $0x1000, $0x38;
	[tilespmem:$0x1FC00] =	vst v63  }
0x34: {  	_ =	swait.ge [sflag:s21], $0x1000  }
0x35: {  	[sflag:s21] =	ssyncset.done $0x0  }
0x36: {  	s14 =	rddreg [dreg:$0x8];
	[sflag:s21] =	ssyncadd.s32 $0xFFFFF000  }
0x37: {  	[spmem:s14] =	stream.linear.scatter [tilespmem:s22], [sflag:$0xB], $0x1000, $0x38;
	[tilespmem:$0x1FC00] =	vst v63  }
0x38: {  	_ =	swait.ge [sflag:s21], $0x1000  }
0x39: {  	[sflag:s21] =	ssyncset.done $0x0  }
0x3a: {  	s16 =	rddreg [dreg:$0x9];
	[sflag:s21] =	ssyncadd.s32 $0xFFFFF000  }
0x3b: {  	[spmem:s16] =	stream.linear.scatter [tilespmem:s22], [sflag:$0xB], $0x1000, $0x38;
	[tilespmem:$0x1FC00] =	vst v63  }
0x3c: {  	_ =	swait.ge [sflag:s21], $0x1000  }
0x3d: {  	[sflag:s21] =	ssyncset.done $0x0  }
0x3e: {  	[sflag:s21] =	ssyncadd.s32 $0xFFFFF000  }
0x3f: {  	[bflag:$0x0] =	sbarrier.arrive $0xFFFF  }
0x40: {  	s8 =	rddreg [dreg:$0xa]  }
0x41: {  	[tilespmem:s23], [sflag:$0x7] =	stream.linear.gather [hbm4b:s8+s4], $0x80, $0x38;
	[tilespmem:$0x1FC00] =	vst v63  }
0x42: {  	s9 =	rddreg [dreg:$0xb]  }
0x43: {  	[tilespmem:s24], [sflag:$0x8] =	stream.linear.gather [hbm4b:s9+s4], $0x80, $0x38;
	[tilespmem:$0x1FC00] =	vst v63  }
0x44: {  	s10 =	rddreg [dreg:$0xc]  }
0x45: {  	[tilespmem:s25], [sflag:$0x9] =	stream.linear.gather [hbm4b:s10+s4], $0x80, $0x38;
	[tilespmem:$0x1FC00] =	vst v63  }
0x46: {  	_ =	swait.ge [sflag:s26], $0x80  }
0x47: {  	[sflag:s26] =	ssyncset.done $0x0  }
0x48: {  	[sflag:s26] =	ssyncadd.s32 $0xFFFFFF80  }
0x49: {  	[spmem:s2] =	stream.indirect.scatter.add.f32 [tilespmem:s29], [sflag:$0x4], $0x20, s23, s28, $0xb8;
	[tilespmem:$0x1FC00] =	vst v63  }
0x4a: {  	_ =	swait.ge [sflag:s30], $0x80  }
0x4b: {  	[sflag:s30] =	ssyncset.done $0x0  }
0x4c: {  	[sflag:s30] =	ssyncadd.s32 $0xFFFFFF80  }
0x4d: {  	[spmem:s2] =	stream.indirect.scatter.add.f32 [tilespmem:s29], [sflag:$0x5], $0x20, s24, s28, $0xb8;
	[tilespmem:$0x1FC00] =	vst v63  }
0x4e: {  	_ =	swait.ge [sflag:s31], $0x80  }
0x4f: {  	[sflag:s31] =	ssyncset.done $0x0  }
0x50: {  	[sflag:s31] =	ssyncadd.s32 $0xFFFFFF80  }
0x51: {  	[spmem:s2] =	stream.indirect.scatter.add.f32 [tilespmem:s29], [sflag:$0x6], $0x20, s25, s28, $0xb8;
	[tilespmem:$0x1FC00] =	vst v63  }
0x52: {  	_ =	swait.ge [sflag:s0], $0x1000  }
0x53: {  	s8 =	sadd.s32 $0xFFFFF5E0, s19;
	[sflag:s0] =	ssyncset.done $0x0  }
0x54: {  	s14 =	sadd.s32 $0xA50, s8;
	[sflag:s0] =	ssyncadd.s32 $0xFFFFF000  }
0x55: {  	[tilespmem:s23], [sflag:$0x7] =	stream.linear.gather [hbm4b:s14+s4], $0x80, $0x38;
	[tilespmem:$0x1FC00] =	vst v63  }
0x56: {  	_ =	swait.ge [sflag:s1], $0x1000  }
0x57: {  	[sflag:s1] =	ssyncset.done $0x0  }
0x58: {  	s16 =	sadd.s32 $0xA60, s8;
	[sflag:s1] =	ssyncadd.s32 $0xFFFFF000  }
0x59: {  	[tilespmem:s24], [sflag:$0x8] =	stream.linear.gather [hbm4b:s16+s4], $0x80, $0x38;
	[tilespmem:$0x1FC00] =	vst v63  }
0x5a: {  	_ =	swait.ge [sflag:s5], $0x1000  }
0x5b: {  	[sflag:s5] =	ssyncset.done $0x0  }
0x5c: {  	s7 =	simm.s32 $0xFFFFF610;
	s8 =	sadd.s32 $0xA70, s8;
	[sflag:s5] =	ssyncadd.s32 $0xFFFFF000  }
.LBB2_4:
0x5d: {  	[tilespmem:s25], [sflag:$0x9] =	stream.linear.gather [hbm4b:s8+s4], $0x80, $0x38;
	[tilespmem:$0x1FC00] =	vst v63  }
0x5e: {  	s8 =	smov.u32 s7  }
0x5f: {  	p0 =	sne.s32 s7, $0xFFFFFFD0;
	s7 =	sadd.s32 $0x30, s7;
	_ =	swait.ge [sflag:s26], $0x80  }
0x60: {  	[sflag:s26] =	ssyncset.done $0x0  }
0x61: {  	[sflag:s26] =	ssyncadd.s32 $0xFFFFFF80  }
0x62: {  	[spmem:s2] =	stream.indirect.scatter.add.f32 [tilespmem:s29], [sflag:$0x4], $0x20, s23, s28, $0xb8;
	[tilespmem:$0x1FC00] =	vst v63  }
0x63: {  	_ =	swait.ge [sflag:s30], $0x80  }
0x64: {  	[sflag:s30] =	ssyncset.done $0x0  }
0x65: {  	[sflag:s30] =	ssyncadd.s32 $0xFFFFFF80  }
0x66: {  	[spmem:s2] =	stream.indirect.scatter.add.f32 [tilespmem:s29], [sflag:$0x5], $0x20, s24, s28, $0xb8;
	[tilespmem:$0x1FC00] =	vst v63  }
0x67: {  	_ =	swait.ge [sflag:s31], $0x80  }
0x68: {  	[sflag:s31] =	ssyncset.done $0x0  }
0x69: {  	[sflag:s31] =	ssyncadd.s32 $0xFFFFFF80  }
0x6a: {  	[spmem:s2] =	stream.indirect.scatter.add.f32 [tilespmem:s29], [sflag:$0x6], $0x20, s25, s28, $0xb8;
	[tilespmem:$0x1FC00] =	vst v63  }
0x6b: {  	_ =	swait.ge [sflag:s0], $0x1000  }
0x6c: {  	s8 =	sadd.s32 s8, s19;
	[sflag:s0] =	ssyncset.done $0x0  }
0x6d: {  	s9 =	sadd.s32 $0xA50, s8;
	[sflag:s0] =	ssyncadd.s32 $0xFFFFF000  }
0x6e: {  	[tilespmem:s23], [sflag:$0x7] =	stream.linear.gather [hbm4b:s9+s4], $0x80, $0x38;
	[tilespmem:$0x1FC00] =	vst v63  }
0x6f: {  	_ =	swait.ge [sflag:s1], $0x1000  }
0x70: {  	[sflag:s1] =	ssyncset.done $0x0  }
.Ltmp1:
0x71: {  	s9 =	sadd.s32 $0xA60, s8;
	[sflag:s1] =	ssyncadd.s32 $0xFFFFF000;
	(pc) =	sbr.rel @p0 .LBB2_4-.Ltmp1, $4  }
0x72: {  	[tilespmem:s24], [sflag:$0x8] =	stream.linear.gather [hbm4b:s9+s4], $0x80, $0x38;
	[tilespmem:$0x1FC00] =	vst v63  }
0x73: {  	_ =	swait.ge [sflag:s5], $0x1000  }
0x74: {  	[sflag:s5] =	ssyncset.done $0x0  }
0x75: {  	s8 =	sadd.s32 $0xA70, s8;
	[sflag:s5] =	ssyncadd.s32 $0xFFFFF000  }
0x76: {  	[tilespmem:s25], [sflag:$0x9] =	stream.linear.gather [hbm4b:s8+s4], $0x80, $0x38;
	[tilespmem:$0x1FC00] =	vst v63  }
0x77: {  	_ =	swait.ge [sflag:s26], $0x80  }
0x78: {  	[sflag:s26] =	ssyncset.done $0x0  }
0x79: {  	[sflag:s26] =	ssyncadd.s32 $0xFFFFFF80  }
0x7a: {  	_ =	swait.ge [sflag:s30], $0x80  }
0x7b: {  	[sflag:s30] =	ssyncset.done $0x0  }
0x7c: {  	[sflag:s30] =	ssyncadd.s32 $0xFFFFFF80  }
0x7d: {  	_ =	swait.ge [sflag:s31], $0x80  }
0x7e: {  	[sflag:s31] =	ssyncset.done $0x0  }
0x7f: {  	[sflag:s31] =	ssyncadd.s32 $0xFFFFFF80  }
0x80: {  	s7 =	simm.s32 $0x9400;
	[bflag:$0x0] =	sbarrier.arrive $0xFFFF  }
0x81: {  	[tilespmem:s7], [sflag:$0xB] =	stream.linear.gather [spmem:s6], $0x5000, $0x38;
	[tilespmem:$0x1FC00] =	vst v63  }
0x82: {  	_ =	swait.ge [sflag:s21], $0x5000  }
0x83: {  	s14 =	simm.s32 $0x0;
	[sflag:s21] =	ssyncset.done $0x0  }
0x84: {  	s9 =	simm.s32 $0xE400;
	s16 =	rddreg [dreg:$0xd];
	[sflag:s21] =	ssyncadd.s32 $0xFFFFB000  }
0x85: {  	[tilespmem:s9], [sflag:$0xB] =	stream.linear.gather [hbm4b:s16+s14], $0x5000, $0x38;
	[tilespmem:$0x1FC00] =	vst v63  }
0x86: {  	_ =	swait.ge [sflag:s21], $0x5000  }
0x87: {  	[sflag:s21] =	ssyncset.done $0x0  }
0x88: {  	s14 =	simm.s32 $0x0;
	[sflag:s21] =	ssyncadd.s32 $0xFFFFB000  }
0x89: {  	v2 =	vld [tilespmem:s14+$0x9400];
	_ =	sdelay $0x4  }
0x8a: {  	v3 =	vshrl.u32 v2, $0x1;
	v4 =	vmul.f32 $5.000000000e-01, v2  }
0x8b: {  	v3 =	vsub.s32 $0x5F3759DF, v3  }
0x8c: {  	v5 =	vmul.f32 v3, v4;
	_ =	sdelay $0x1  }
0x8d: {  	v5 =	vmul.f32 v3, v5;
	_ =	sdelay $0x1  }
0x8e: {  	v5 =	vsub.f32 $1.500000000e+00, v5;
	_ =	sdelay $0x1  }
0x8f: {  	v3 =	vmul.f32 v3, v5;
	_ =	sdelay $0x1  }
0x90: {  	v5 =	vmul.f32 v3, v4;
	_ =	sdelay $0x1  }
0x91: {  	v5 =	vmul.f32 v5, v3;
	_ =	sdelay $0x1  }
0x92: {  	v5 =	vsub.f32 $1.500000000e+00, v5;
	_ =	sdelay $0x1  }
0x93: {  	v3 =	vmul.f32 v5, v3;
	_ =	sdelay $0x1  }
0x94: {  	v5 =	vmul.f32 v3, v4;
	_ =	sdelay $0x1  }
0x95: {  	v5 =	vmul.f32 v5, v3;
	_ =	sdelay $0x1  }
0x96: {  	v5 =	vsub.f32 $1.500000000e+00, v5;
	_ =	sdelay $0x1  }
0x97: {  	v3 =	vmul.f32 v5, v3;
	_ =	sdelay $0x1  }
0x98: {  	v4 =	vmul.f32 v3, v4;
	_ =	sdelay $0x1  }
0x99: {  	v4 =	vmul.f32 v4, v3;
	_ =	sdelay $0x1  }
0x9a: {  	v4 =	vsub.f32 $1.500000000e+00, v4;
	_ =	sdelay $0x1  }
0x9b: {  	v3 =	vmul.f32 v4, v3  }
0x9c: {  	vm0 =	vgt.f32 v2, $0.0e+00  }
0x9d: {  	s16 =	simm.s32 $0x13400;
	v2 =	vnsel vm0, $0x0, v3  }
0x9e: {  	s8 =	simm.s32 $0x20;
	s7 =	simm.s32 $0x100;
	[tilespmem:s16+$0x0] =	vst v2  }
.LBB2_6:
0x9f: {  	p0 =	sne.s32 s7, $0x13F80;
	v3 =	vld [tilespmem:s8+$0x9400]  }
0xa0: {  	v4 =	vld [tilespmem:s14+$0xE400]  }
0xa1: {  	v5 =	vld [tilespmem:s14+$0xE410];
	_ =	sdelay $0x2  }
0xa2: {  	v6 =	vshrl.u32 v3, $0x1;
	v7 =	vmul.f32 $5.000000000e-01, v3  }
0xa3: {  	v6 =	vsub.s32 $0x5F3759DF, v6;
	v4 =	vmul.f32 v2, v4  }
0xa4: {  	v8 =	vmul.f32 v6, v7;
	v2 =	vmul.f32 v2, v5  }
0xa5: {  	[tilespmem:s14+$0xE400] =	vst v4  }
0xa6: {  	v4 =	vmul.f32 v6, v8;
	[tilespmem:s14+$0xE410] =	vst v2;
	s14 =	smov.u32 s8;
	_ =	sdelay $0x1  }
0xa7: {  	v2 =	vsub.f32 $1.500000000e+00, v4;
	_ =	sdelay $0x1  }
0xa8: {  	v2 =	vmul.f32 v6, v2;
	_ =	sdelay $0x1  }
0xa9: {  	v4 =	vmul.f32 v2, v7;
	_ =	sdelay $0x1  }
0xaa: {  	v4 =	vmul.f32 v4, v2;
	_ =	sdelay $0x1  }
0xab: {  	v4 =	vsub.f32 $1.500000000e+00, v4;
	_ =	sdelay $0x1  }
0xac: {  	v2 =	vmul.f32 v4, v2;
	_ =	sdelay $0x1  }
0xad: {  	v4 =	vmul.f32 v2, v7;
	_ =	sdelay $0x1  }
0xae: {  	v4 =	vmul.f32 v4, v2;
	_ =	sdelay $0x1  }
0xaf: {  	v4 =	vsub.f32 $1.500000000e+00, v4;
	_ =	sdelay $0x1  }
0xb0: {  	v2 =	vmul.f32 v4, v2;
	_ =	sdelay $0x1  }
0xb1: {  	v4 =	vmul.f32 v2, v7;
	_ =	sdelay $0x1  }
0xb2: {  	v4 =	vmul.f32 v4, v2;
	_ =	sdelay $0x1  }
0xb3: {  	v4 =	vsub.f32 $1.500000000e+00, v4  }
.Ltmp2:
0xb4: {  	(pc) =	sbr.rel @p0 .LBB2_6-.Ltmp2, $4  }
0xb5: {  	v2 =	vmul.f32 v4, v2  }
0xb6: {  	vm0 =	vgt.f32 v3, $0.0e+00  }
0xb7: {  	s16 =	sadd.s32 $0x10, s16;
	v2 =	vnsel vm0, $0x0, v2  }
0xb8: {  	s8 =	sshra.s32 s7, $0x2;
	s7 =	sadd.s32 $0x80, s7;
	[tilespmem:s16+$0x0] =	vst v2  }
0xb9: {  	v3 =	vld [tilespmem:s8+$0x9400];
	_ =	sdelay $0x4  }
0xba: {  	v4 =	vshrl.u32 v3, $0x1;
	v5 =	vmul.f32 $5.000000000e-01, v3  }
0xbb: {  	v4 =	vsub.s32 $0x5F3759DF, v4  }
0xbc: {  	v6 =	vmul.f32 v4, v5;
	_ =	sdelay $0x1  }
0xbd: {  	v6 =	vmul.f32 v4, v6;
	_ =	sdelay $0x1  }
0xbe: {  	v6 =	vsub.f32 $1.500000000e+00, v6;
	_ =	sdelay $0x1  }
0xbf: {  	v4 =	vmul.f32 v4, v6;
	_ =	sdelay $0x1  }
0xc0: {  	v6 =	vmul.f32 v4, v5;
	_ =	sdelay $0x1  }
0xc1: {  	v6 =	vmul.f32 v6, v4;
	_ =	sdelay $0x1  }
0xc2: {  	v6 =	vsub.f32 $1.500000000e+00, v6;
	_ =	sdelay $0x1  }
0xc3: {  	v4 =	vmul.f32 v6, v4;
	_ =	sdelay $0x1  }
0xc4: {  	v6 =	vmul.f32 v4, v5;
	_ =	sdelay $0x1  }
0xc5: {  	v6 =	vmul.f32 v6, v4;
	_ =	sdelay $0x1  }
0xc6: {  	v6 =	vsub.f32 $1.500000000e+00, v6;
	_ =	sdelay $0x1  }
0xc7: {  	v4 =	vmul.f32 v6, v4;
	_ =	sdelay $0x1  }
0xc8: {  	v62 =	vld [tilespmem:s14+$0xE400];
	v5 =	vmul.f32 v4, v5  }
0xc9: {  	v7 =	vld [tilespmem:s14+$0xE410]  }
0xca: {  	v5 =	vmul.f32 v5, v4;
	_ =	sdelay $0x1  }
0xcb: {  	v5 =	vsub.f32 $1.500000000e+00, v5  }
0xcc: {  	v6 =	vmul.f32 v2, v62  }
0xcd: {  	v2 =	vmul.f32 v2, v7;
	v4 =	vmul.f32 v5, v4  }
0xce: {  	vm0 =	vgt.f32 v3, $0.0e+00;
	[tilespmem:s14+$0xE400] =	vst v6  }
0xcf: {  	s7 =	sadd.s32 $0x10, s16;
	[tilespmem:s14+$0xE410] =	vst v2;
	v2 =	vnsel vm0, $0x0, v4  }
0xd0: {  	[tilespmem:s7+$0x0] =	vst v2  }
0xd1: {  	v3 =	vld [tilespmem:s8+$0xE400]  }
0xd2: {  	v63 =	vld [tilespmem:s8+$0xE410];
	_ =	sdelay $0x3  }
0xd3: {  	v3 =	vmul.f32 v2, v3  }
0xd4: {  	v2 =	vmul.f32 v2, v63  }
0xd5: {  	[tilespmem:s8+$0xE400] =	vst v3  }
0xd6: {  	s16 =	simm.s32 $0xE400;
	s14 =	rddreg [dreg:$0xe];
	[tilespmem:s8+$0xE410] =	vst v2  }
0xd7: {  	[spmem:s14] =	stream.linear.scatter [tilespmem:s16], [sflag:$0xB], $0x5000, $0x38;
	[tilespmem:$0x1FC00] =	vst v63  }
0xd8: {  	_ =	swait.ge [sflag:s21], $0x5000  }
0xd9: {  	[sflag:s21] =	ssyncset.done $0x0  }
0xda: {  	[sflag:s21] =	ssyncadd.s32 $0xFFFFB000  }
0xdb: {  	[spmem:s6] =	stream.linear.scatter [tilespmem:s22], [sflag:$0xB], $0x1000, $0x38;
	[tilespmem:$0x1FC00] =	vst v63  }
0xdc: {  	_ =	swait.ge [sflag:s21], $0x1000  }
0xdd: {  	[sflag:s21] =	ssyncset.done $0x0  }
0xde: {  	s9 =	rddreg [dreg:$0x6];
	[sflag:s21] =	ssyncadd.s32 $0xFFFFF000  }
0xdf: {  	[spmem:s9] =	stream.linear.scatter [tilespmem:s22], [sflag:$0xB], $0x1000, $0x38;
	[tilespmem:$0x1FC00] =	vst v63  }
0xe0: {  	_ =	swait.ge [sflag:s21], $0x1000  }
0xe1: {  	[sflag:s21] =	ssyncset.done $0x0  }
0xe2: {  	s10 =	rddreg [dreg:$0x7];
	[sflag:s21] =	ssyncadd.s32 $0xFFFFF000  }
0xe3: {  	[spmem:s10] =	stream.linear.scatter [tilespmem:s22], [sflag:$0xB], $0x1000, $0x38;
	[tilespmem:$0x1FC00] =	vst v63  }
0xe4: {  	_ =	swait.ge [sflag:s21], $0x1000  }
0xe5: {  	[sflag:s21] =	ssyncset.done $0x0  }
0xe6: {  	s14 =	rddreg [dreg:$0x8];
	[sflag:s21] =	ssyncadd.s32 $0xFFFFF000  }
0xe7: {  	[spmem:s14] =	stream.linear.scatter [tilespmem:s22], [sflag:$0xB], $0x1000, $0x38;
	[tilespmem:$0x1FC00] =	vst v63  }
0xe8: {  	_ =	swait.ge [sflag:s21], $0x1000  }
0xe9: {  	[sflag:s21] =	ssyncset.done $0x0  }
0xea: {  	s16 =	rddreg [dreg:$0x9];
	[sflag:s21] =	ssyncadd.s32 $0xFFFFF000  }
0xeb: {  	[spmem:s16] =	stream.linear.scatter [tilespmem:s22], [sflag:$0xB], $0x1000, $0x38;
	[tilespmem:$0x1FC00] =	vst v63  }
0xec: {  	_ =	swait.ge [sflag:s21], $0x1000  }
0xed: {  	[sflag:s21] =	ssyncset.done $0x0  }
0xee: {  	[sflag:s21] =	ssyncadd.s32 $0xFFFFF000  }
0xef: {  	s14 =	simm.s32 $0x0;
	s16 =	simm.s32 $0x0;
	[bflag:$0x0] =	sbarrier.arrive $0xFFFF  }
.LBB2_8:
0xf0: {  	s7 =	rddreg [dreg:$0xd];
	s8 =	simm.s32 $0xE400  }
0xf1: {  	[tilespmem:s8], [sflag:$0xA] =	stream.linear.gather [hbm4b:s7+s14], $0x5000, $0x38;
	[tilespmem:$0x1FC00] =	vst v63  }
0xf2: {  	s9 =	rddreg [dreg:$0xa]  }
0xf3: {  	[tilespmem:s23], [sflag:$0x7] =	stream.linear.gather [hbm4b:s9+s14], $0x80, $0x38;
	[tilespmem:$0x1FC00] =	vst v63  }
0xf4: {  	_ = 	snop  }
0xf5: {  	[tilespmem:s29], [sflag:$0x1] =	stream.indirect.gather [spmem:s3], $0x20, s14, s28, $0xb8;
	[tilespmem:$0x1FC00] =	vst v63  }
0xf6: {  	s10 =	rddreg [dreg:$0xb]  }
0xf7: {  	[tilespmem:s24], [sflag:$0x8] =	stream.linear.gather [hbm4b:s10+s14], $0x80, $0x38;
	[tilespmem:$0x1FC00] =	vst v63  }
0xf8: {  	_ = 	snop  }
0xf9: {  	[tilespmem:s18], [sflag:$0x2] =	stream.indirect.gather [spmem:s3], $0x20, s28, s28, $0xb8;
	[tilespmem:$0x1FC00] =	vst v63  }
0xfa: {  	s8 =	rddreg [dreg:$0xc]  }
0xfb: {  	[tilespmem:s25], [sflag:$0x9] =	stream.linear.gather [hbm4b:s8+s14], $0x80, $0x38;
	[tilespmem:$0x1FC00] =	vst v63  }
0xfc: {  	s9 =	simm.s32 $0x100  }
0xfd: {  	[tilespmem:s17], [sflag:$0x3] =	stream.indirect.gather [spmem:s3], $0x20, s9, s28, $0xb8;
	[tilespmem:$0x1FC00] =	vst v63  }
0xfe: {  	_ =	swait.ge [sflag:s15], $0x1000  }
0xff: {  	[sflag:s15] =	ssyncset.done $0x0  }
0x100: {  	[sflag:s15] =	ssyncadd.s32 $0xFFFFF000  }
0x101: {  	_ =	swait.ge [sflag:s26], $0x80  }
0x102: {  	[sflag:s26] =	ssyncset.done $0x0  }
0x103: {  	[sflag:s26] =	ssyncadd.s32 $0xFFFFFF80  }
0x104: {  	[spmem:s2] =	stream.indirect.scatter.add.f32 [tilespmem:s29], [sflag:$0x4], $0x20, s23, s28, $0xb8;
	[tilespmem:$0x1FC00] =	vst v63  }
0x105: {  	_ =	swait.ge [sflag:s12], $0x1000  }
0x106: {  	[sflag:s12] =	ssyncset.done $0x0  }
0x107: {  	[sflag:s12] =	ssyncadd.s32 $0xFFFFF000  }
0x108: {  	_ =	swait.ge [sflag:s30], $0x80  }
0x109: {  	[sflag:s30] =	ssyncset.done $0x0  }
0x10a: {  	[sflag:s30] =	ssyncadd.s32 $0xFFFFFF80  }
0x10b: {  	[spmem:s2] =	stream.indirect.scatter.add.f32 [tilespmem:s18], [sflag:$0x5], $0x20, s24, s28, $0xb8;
	[tilespmem:$0x1FC00] =	vst v63  }
0x10c: {  	_ =	swait.ge [sflag:s11], $0x1000  }
0x10d: {  	[sflag:s11] =	ssyncset.done $0x0  }
0x10e: {  	[sflag:s11] =	ssyncadd.s32 $0xFFFFF000  }
0x10f: {  	_ =	swait.ge [sflag:s31], $0x80  }
0x110: {  	[sflag:s31] =	ssyncset.done $0x0  }
0x111: {  	[sflag:s31] =	ssyncadd.s32 $0xFFFFFF80  }
0x112: {  	[spmem:s2] =	stream.indirect.scatter.add.f32 [tilespmem:s17], [sflag:$0x6], $0x20, s25, s28, $0xb8;
	[tilespmem:$0x1FC00] =	vst v63  }
0x113: {  	_ =	swait.ge [sflag:s0], $0x1000  }
0x114: {  	[sflag:s0] =	ssyncset.done $0x0  }
0x115: {  	s10 =	sadd.s32 $0xFFFFFFE0, s20;
	[sflag:s0] =	ssyncadd.s32 $0xFFFFF000  }
0x116: {  	[tilespmem:s23], [sflag:$0x7] =	stream.linear.gather [hbm4b:s10+s4], $0x80, $0x38;
	[tilespmem:$0x1FC00] =	vst v63  }
0x117: {  	s8 =	simm.s32 $0x180  }
0x118: {  	[tilespmem:s29], [sflag:$0x1] =	stream.indirect.gather [spmem:s3], $0x20, s8, s28, $0xb8;
	[tilespmem:$0x1FC00] =	vst v63  }
0x119: {  	_ =	swait.ge [sflag:s1], $0x1000  }
0x11a: {  	[sflag:s1] =	ssyncset.done $0x0  }
0x11b: {  	s9 =	sadd.s32 $0xFFFFFFF0, s20;
	[sflag:s1] =	ssyncadd.s32 $0xFFFFF000  }
0x11c: {  	[tilespmem:s24], [sflag:$0x8] =	stream.linear.gather [hbm4b:s9+s4], $0x80, $0x38;
	[tilespmem:$0x1FC00] =	vst v63  }
0x11d: {  	s10 =	simm.s32 $0x200  }
0x11e: {  	[tilespmem:s18], [sflag:$0x2] =	stream.indirect.gather [spmem:s3], $0x20, s10, s28, $0xb8;
	[tilespmem:$0x1FC00] =	vst v63  }
0x11f: {  	_ =	swait.ge [sflag:s5], $0x1000  }
0x120: {  	s7 =	simm.s32 $0x600;
	[sflag:s5] =	ssyncset.done $0x0  }
0x121: {  	s8 =	sadd.s32 $0x30, s20;
	s9 =	simm.s32 $0x280;
	[sflag:s5] =	ssyncadd.s32 $0xFFFFF000  }
0x122: {  	[tilespmem:s25], [sflag:$0x9] =	stream.linear.gather [hbm4b:s20+s4], $0x80, $0x38;
	[tilespmem:$0x1FC00] =	vst v63  }
.LBB2_9:
0x123: {  	[tilespmem:s17], [sflag:$0x3] =	stream.indirect.gather [spmem:s3], $0x20, s9, s28, $0xb8;
	[tilespmem:$0x1FC00] =	vst v63  }
0x124: {  	s9 =	smov.u32 s7  }
0x125: {  	p0 =	sne.s32 s7, $0x13E00;
	s7 =	sadd.s32 $0x600, s7;
	_ =	swait.ge [sflag:s15], $0x1000  }
0x126: {  	[sflag:s15] =	ssyncset.done $0x0  }
0x127: {  	[sflag:s15] =	ssyncadd.s32 $0xFFFFF000  }
0x128: {  	_ =	swait.ge [sflag:s26], $0x80  }
0x129: {  	[sflag:s26] =	ssyncset.done $0x0  }
0x12a: {  	[sflag:s26] =	ssyncadd.s32 $0xFFFFFF80  }
0x12b: {  	[spmem:s2] =	stream.indirect.scatter.add.f32 [tilespmem:s29], [sflag:$0x4], $0x20, s23, s28, $0xb8;
	[tilespmem:$0x1FC00] =	vst v63  }
0x12c: {  	_ =	swait.ge [sflag:s12], $0x1000  }
0x12d: {  	[sflag:s12] =	ssyncset.done $0x0  }
0x12e: {  	[sflag:s12] =	ssyncadd.s32 $0xFFFFF000  }
0x12f: {  	_ =	swait.ge [sflag:s30], $0x80  }
0x130: {  	[sflag:s30] =	ssyncset.done $0x0  }
0x131: {  	[sflag:s30] =	ssyncadd.s32 $0xFFFFFF80  }
0x132: {  	[spmem:s2] =	stream.indirect.scatter.add.f32 [tilespmem:s18], [sflag:$0x5], $0x20, s24, s28, $0xb8;
	[tilespmem:$0x1FC00] =	vst v63  }
0x133: {  	_ =	swait.ge [sflag:s11], $0x1000  }
0x134: {  	[sflag:s11] =	ssyncset.done $0x0  }
0x135: {  	[sflag:s11] =	ssyncadd.s32 $0xFFFFF000  }
0x136: {  	_ =	swait.ge [sflag:s31], $0x80  }
0x137: {  	[sflag:s31] =	ssyncset.done $0x0  }
0x138: {  	[sflag:s31] =	ssyncadd.s32 $0xFFFFFF80  }
0x139: {  	[spmem:s2] =	stream.indirect.scatter.add.f32 [tilespmem:s17], [sflag:$0x6], $0x20, s25, s28, $0xb8;
	[tilespmem:$0x1FC00] =	vst v63  }
0x13a: {  	_ =	swait.ge [sflag:s0], $0x1000  }
0x13b: {  	[sflag:s0] =	ssyncset.done $0x0  }
0x13c: {  	s10 =	sadd.s32 $0xFFFFFFE0, s8;
	s9 =	sshra.s32 s9, $0x2;
	[sflag:s0] =	ssyncadd.s32 $0xFFFFF000  }
0x13d: {  	[tilespmem:s23], [sflag:$0x7] =	stream.linear.gather [hbm4b:s10+s4], $0x80, $0x38;
	[tilespmem:$0x1FC00] =	vst v63  }
0x13e: {  	s10 =	sadd.s32 $0x180, s9  }
0x13f: {  	[tilespmem:s29], [sflag:$0x1] =	stream.indirect.gather [spmem:s3], $0x20, s10, s28, $0xb8;
	[tilespmem:$0x1FC00] =	vst v63  }
0x140: {  	_ =	swait.ge [sflag:s1], $0x1000  }
0x141: {  	[sflag:s1] =	ssyncset.done $0x0  }
0x142: {  	s10 =	sadd.s32 $0xFFFFFFF0, s8;
	[sflag:s1] =	ssyncadd.s32 $0xFFFFF000  }
0x143: {  	[tilespmem:s24], [sflag:$0x8] =	stream.linear.gather [hbm4b:s10+s4], $0x80, $0x38;
	[tilespmem:$0x1FC00] =	vst v63  }
0x144: {  	s10 =	sadd.s32 $0x200, s9  }
0x145: {  	[tilespmem:s18], [sflag:$0x2] =	stream.indirect.gather [spmem:s3], $0x20, s10, s28, $0xb8;
	[tilespmem:$0x1FC00] =	vst v63  }
.Ltmp3:
0x146: {  	_ =	swait.ge [sflag:s5], $0x1000;
	(pc) =	sbr.rel @p0 .LBB2_9-.Ltmp3, $4  }
0x147: {  	[sflag:s5] =	ssyncset.done $0x0  }
0x148: {  	[sflag:s5] =	ssyncadd.s32 $0xFFFFF000  }
0x149: {  	[tilespmem:s25], [sflag:$0x9] =	stream.linear.gather [hbm4b:s8+s4], $0x80, $0x38;
	[tilespmem:$0x1FC00] =	vst v63  }
0x14a: {  	s9 =	sadd.s32 $0x280, s9;
	s8 =	sadd.s32 $0x30, s8  }
0x14b: {  	[tilespmem:s17], [sflag:$0x3] =	stream.indirect.gather [spmem:s3], $0x20, s9, s28, $0xb8;
	[tilespmem:$0x1FC00] =	vst v63  }
0x14c: {  	_ =	swait.ge [sflag:s15], $0x1000  }
0x14d: {  	[sflag:s15] =	ssyncset.done $0x0  }
0x14e: {  	[sflag:s15] =	ssyncadd.s32 $0xFFFFF000  }
0x14f: {  	_ =	swait.ge [sflag:s26], $0x80  }
0x150: {  	[sflag:s26] =	ssyncset.done $0x0  }
0x151: {  	[sflag:s26] =	ssyncadd.s32 $0xFFFFFF80  }
0x152: {  	_ =	swait.ge [sflag:s12], $0x1000  }
0x153: {  	[sflag:s12] =	ssyncset.done $0x0  }
0x154: {  	[sflag:s12] =	ssyncadd.s32 $0xFFFFF000  }
0x155: {  	_ =	swait.ge [sflag:s30], $0x80  }
0x156: {  	[sflag:s30] =	ssyncset.done $0x0  }
0x157: {  	[sflag:s30] =	ssyncadd.s32 $0xFFFFFF80  }
0x158: {  	_ =	swait.ge [sflag:s11], $0x1000  }
0x159: {  	[sflag:s11] =	ssyncset.done $0x0  }
0x15a: {  	[sflag:s11] =	ssyncadd.s32 $0xFFFFF000  }
0x15b: {  	_ =	swait.ge [sflag:s31], $0x80  }
0x15c: {  	[sflag:s31] =	ssyncset.done $0x0  }
0x15d: {  	[sflag:s31] =	ssyncadd.s32 $0xFFFFFF80  }
0x15e: {  	s7 =	simm.s32 $0x9400;
	[bflag:$0x0] =	sbarrier.arrive $0xFFFF  }
0x15f: {  	[tilespmem:s7], [sflag:$0xB] =	stream.linear.gather [spmem:s6], $0x5000, $0x38;
	[tilespmem:$0x1FC00] =	vst v63  }
0x160: {  	_ =	swait.ge [sflag:s21], $0x5000  }
0x161: {  	[sflag:s21] =	ssyncset.done $0x0  }
0x162: {  	[sflag:s21] =	ssyncadd.s32 $0xFFFFB000  }
0x163: {  	[spmem:s6] =	stream.linear.scatter [tilespmem:s22], [sflag:$0xB], $0x1000, $0x38;
	[tilespmem:$0x1FC00] =	vst v63  }
0x164: {  	_ =	swait.ge [sflag:s21], $0x1000  }
0x165: {  	[sflag:s21] =	ssyncset.done $0x0  }
0x166: {  	s10 =	rddreg [dreg:$0x6];
	[sflag:s21] =	ssyncadd.s32 $0xFFFFF000  }
0x167: {  	[spmem:s10] =	stream.linear.scatter [tilespmem:s22], [sflag:$0xB], $0x1000, $0x38;
	[tilespmem:$0x1FC00] =	vst v63  }
0x168: {  	_ =	swait.ge [sflag:s21], $0x1000  }
0x169: {  	[sflag:s21] =	ssyncset.done $0x0  }
0x16a: {  	s8 =	rddreg [dreg:$0x7];
	[sflag:s21] =	ssyncadd.s32 $0xFFFFF000  }
0x16b: {  	[spmem:s8] =	stream.linear.scatter [tilespmem:s22], [sflag:$0xB], $0x1000, $0x38;
	[tilespmem:$0x1FC00] =	vst v63  }
0x16c: {  	_ =	swait.ge [sflag:s21], $0x1000  }
0x16d: {  	[sflag:s21] =	ssyncset.done $0x0  }
0x16e: {  	s9 =	rddreg [dreg:$0x8];
	[sflag:s21] =	ssyncadd.s32 $0xFFFFF000  }
0x16f: {  	[spmem:s9] =	stream.linear.scatter [tilespmem:s22], [sflag:$0xB], $0x1000, $0x38;
	[tilespmem:$0x1FC00] =	vst v63  }
0x170: {  	_ =	swait.ge [sflag:s21], $0x1000  }
0x171: {  	[sflag:s21] =	ssyncset.done $0x0  }
0x172: {  	s10 =	rddreg [dreg:$0x9];
	[sflag:s21] =	ssyncadd.s32 $0xFFFFF000  }
0x173: {  	[spmem:s10] =	stream.linear.scatter [tilespmem:s22], [sflag:$0xB], $0x1000, $0x38;
	[tilespmem:$0x1FC00] =	vst v63  }
0x174: {  	p0 =	seq.s32 s16, $0x9;
	_ =	swait.ge [sflag:s21], $0x1000  }
.Ltmp4:
0x175: {  	[sflag:s21] =	ssyncset.done $0x0;
	(pc) =	sbr.rel @p0 .LBB2_14-.Ltmp4, $4  }
0x176: {  	[sflag:s21] =	ssyncadd.s32 $0xFFFFF000  }
0x177: {  	_ =	swait.ge [sflag:s13], $0x5000  }
0x178: {  	[sflag:s13] =	ssyncset.done $0x0  }
0x179: {  	s7 =	simm.s32 $0x13400;
	s8 =	simm.s32 $0x0;
	[sflag:s13] =	ssyncadd.s32 $0xFFFFB000  }
0x17a: {  	v2 =	vld [tilespmem:s7+$0x0];
	s9 =	simm.s32 $0x80  }
.LBB2_12:
0x17b: {  	p0 =	seq.s32 s9, $0x13F80;
	s10 =	sshra.s32 s8, $0x2;
	s8 =	smov.u32 s9  }
0x17c: {  	v3 =	vld [tilespmem:s10+$0xE400]  }
0x17d: {  	v4 =	vld [tilespmem:s10+$0xE410]  }
0x17e: {  	v5 =	vld [tilespmem:s10+$0x9400]  }
0x17f: {  	v6 =	vmul.f32 $8.999999760e-01, v2;
	v7 =	vld [tilespmem:s10+$0x9410];
	_ =	sdelay $0x1  }
0x180: {  	v6 =	vmul.f32 v6, v2;
	v2 =	vmul.f32 $1.000000010e-01, v2;
	_ =	sdelay $0x1  }
0x181: {  	v5 =	vmul.f32 v6, v5;
	v3 =	vmul.f32 v3, v2  }
0x182: {  	v2 =	vmul.f32 v4, v2;
	v6 =	vmul.f32 v7, v6  }
.Ltmp5:
0x183: {  	v3 =	vadd.f32 v3, v5;
	(pc) =	sbr.rel @!p0 .LBB2_12-.Ltmp5, $4  }
0x184: {  	v2 =	vadd.f32 v2, v6  }
0x185: {  	[tilespmem:s10+$0x9400] =	vst v3  }
0x186: {  	s7 =	sadd.s32 $0x10, s7;
	[tilespmem:s10+$0x9410] =	vst v2  }
0x187: {  	s9 =	sadd.s32 $0x80, s9;
	v2 =	vld [tilespmem:s7+$0x0]  }
0x188: {  	s7 =	sshra.s32 s8, $0x2  }
0x189: {  	v3 =	vld [tilespmem:s7+$0xE400]  }
0x18a: {  	v4 =	vld [tilespmem:s7+$0xE410]  }
0x18b: {  	v5 =	vld [tilespmem:s7+$0x9400]  }
0x18c: {  	v7 =	vld [tilespmem:s7+$0x9410];
	v6 =	vmul.f32 $8.999999760e-01, v2;
	_ =	sdelay $0x1  }
0x18d: {  	v6 =	vmul.f32 v6, v2;
	v2 =	vmul.f32 $1.000000010e-01, v2;
	_ =	sdelay $0x1  }
0x18e: {  	v5 =	vmul.f32 v6, v5;
	v3 =	vmul.f32 v3, v2  }
0x18f: {  	v6 =	vmul.f32 v7, v6;
	v2 =	vmul.f32 v4, v2  }
0x190: {  	v3 =	vadd.f32 v3, v5  }
0x191: {  	v2 =	vadd.f32 v2, v6  }
0x192: {  	[tilespmem:s7+$0x9400] =	vst v3  }
0x193: {  	s9 =	rddreg [dreg:$0xe];
	s10 =	simm.s32 $0x9400;
	[tilespmem:s7+$0x9410] =	vst v2  }
0x194: {  	[spmem:s9] =	stream.linear.scatter [tilespmem:s10], [sflag:$0xB], $0x5000, $0x38;
	[tilespmem:$0x1FC00] =	vst v63  }
.Ltmp6:
0x195: {  	_ =	swait.ge [sflag:s21], $0x5000;
	(pc) =	sbr.rel .LBB2_8-.Ltmp6, $4  }
0x196: {  	[sflag:s21] =	ssyncset.done $0x0  }
0x197: {  	[sflag:s21] =	ssyncadd.s32 $0xFFFFB000  }
0x198: {  	[bflag:$0x0] =	sbarrier.arrive $0xFFFF  }
0x199: {  	s16 =	sadd.s32 $0x1, s16  }
.LBB2_14:
0x19a: {  	s8 =	simm.s32 $0x0;
	v4 =	vld [tilespmem:s7+$0x0]  }
0x19b: {  	v2 =	vld [tilespmem:s8+$0xE400]  }
0x19c: {  	s9 =	simm.s32 $0x80;
	v3 =	vld [tilespmem:s8+$0xE410]  }
.LBB2_15:
0x19d: {  	p0 =	sne.s32 s9, $0x13F80;
	v5 =	vld [tilespmem:s8+$0x9410]  }
0x19e: {  	v6 =	vld [tilespmem:s8+$0x9400];
	_ =	sdelay $0x2  }
0x19f: {  	v4 =	vmul.f32 $8.999999760e-01, v4  }
0x1a0: {  	v2 =	vmul.f32 $1.000000010e-01, v2;
	v3 =	vmul.f32 $1.000000010e-01, v3  }
0x1a1: {  	v6 =	vmul.f32 v6, v4;
	v4 =	vmul.f32 v5, v4;
	_ =	sdelay $0x1  }
.Ltmp7:
0x1a2: {  	v5 =	vadd.f32 v2, v6;
	v4 =	vadd.f32 v3, v4;
	(pc) =	sbr.rel @p0 .LBB2_15-.Ltmp7, $4  }
0x1a3: {  	s10 =	sshra.s32 s9, $0x2  }
0x1a4: {  	v2 =	vld [tilespmem:s10+$0xE400];
	[tilespmem:s8+$0x9400] =	vst v5  }
0x1a5: {  	s7 =	sadd.s32 $0x10, s7;
	v3 =	vld [tilespmem:s10+$0xE410];
	[tilespmem:s8+$0x9410] =	vst v4;
	s8 =	smov.u32 s10  }
0x1a6: {  	s9 =	sadd.s32 $0x80, s9;
	v4 =	vld [tilespmem:s7+$0x0]  }
0x1a7: {  	_ = 	snop  }
0x1a8: {  	v5 =	vld [tilespmem:s8+$0x9400]  }
0x1a9: {  	v6 =	vld [tilespmem:s8+$0x9410];
	_ =	sdelay $0x1  }
0x1aa: {  	v4 =	vmul.f32 $8.999999760e-01, v4;
	_ =	sdelay $0x1  }
0x1ab: {  	v2 =	vmul.f32 $1.000000010e-01, v2;
	v5 =	vmul.f32 v5, v4  }
0x1ac: {  	v3 =	vmul.f32 $1.000000010e-01, v3;
	v4 =	vmul.f32 v6, v4  }
0x1ad: {  	v2 =	vadd.f32 v2, v5  }
0x1ae: {  	v3 =	vadd.f32 v3, v4  }
0x1af: {  	[tilespmem:s8+$0x9400] =	vst v2  }
0x1b0: {  	s7 =	simm.s32 $0x0;
	s16 =	rddreg [dreg:$0xf];
	s9 =	simm.s32 $0xE400;
	[tilespmem:s8+$0x9410] =	vst v3  }
0x1b1: {  	[tilespmem:s9], [sflag:$0xB] =	stream.linear.gather [hbm4b:s16+s7], $0x5000, $0x38;
	[tilespmem:$0x1FC00] =	vst v63  }
0x1b2: {  	_ =	swait.ge [sflag:s21], $0x5000  }
0x1b3: {  	[sflag:s21] =	ssyncset.done $0x0  }
0x1b4: {  	s7 =	simm.s32 $0x0;
	[sflag:s21] =	ssyncadd.s32 $0xFFFFB000  }
0x1b5: {  	v2 =	vld [tilespmem:s7+$0xE400]  }
0x1b6: {  	v3 =	vld [tilespmem:s7+$0xE410]  }
0x1b7: {  	s8 =	simm.s32 $0x80;
	v4 =	vld [tilespmem:s7+$0x9400]  }
.LBB2_17:
0x1b8: {  	p0 =	seq.s32 s8, $0x13F80;
	v5 =	vld [tilespmem:s7+$0x9410];
	_ =	sdelay $0x2  }
.Ltmp8:
0x1b9: {  	(pc) =	sbr.rel @!p0 .LBB2_17-.Ltmp8, $4  }
0x1ba: {  	s9 =	sshra.s32 s8, $0x2;
	v4 =	vadd.f32 v2, v4  }
0x1bb: {  	v2 =	vld [tilespmem:s9+$0xE400];
	v5 =	vadd.f32 v3, v5  }
0x1bc: {  	v3 =	vld [tilespmem:s9+$0xE410];
	[tilespmem:s7+$0x9400] =	vst v4  }
0x1bd: {  	s8 =	sadd.s32 $0x80, s8;
	v4 =	vld [tilespmem:s9+$0x9400];
	[tilespmem:s7+$0x9410] =	vst v5;
	s7 =	smov.u32 s9  }
0x1be: {  	v5 =	vld [tilespmem:s7+$0x9410];
	_ =	sdelay $0x3  }
0x1bf: {  	v2 =	vadd.f32 v2, v4  }
0x1c0: {  	v3 =	vadd.f32 v3, v5  }
0x1c1: {  	[tilespmem:s7+$0x9400] =	vst v2  }
0x1c2: {  	s14 =	rddreg [dreg:$0x10];
	s8 =	simm.s32 $0x9400;
	[tilespmem:s7+$0x9410] =	vst v3  }
0x1c3: {  	[hbm4b:s14+s4] =	stream.linear.scatter [tilespmem:s8], [sflag:$0xB], $0x5000, $0x38;
	[tilespmem:$0x1FC00] =	vst v63  }
0x1c4: {  	s9 =	rddreg [dreg:$0x12];
	_ =	swait.ge [sflag:s21], $0x5000  }
0x1c5: {  	s9 =	sadd.s32 $0x1, s9;
	s16 =	rddreg [dreg:$0x11]  }
0x1c6: {  	p0 =	sne.s32 s9, s16  }
.Ltmp9:
0x1c7: {  	_ = 	snop;
	(pc) =	sbr.rel @p0 .LBB2_1-.Ltmp9, $3  }
0x1c8: {  	[sflag:s21] =	ssyncset.done $0x0  }
0x1c9: {  	[sflag:s21] =	ssyncadd.s32 $0xFFFFB000  }
0x1ca: {  	[bflag:$0x0] =	sbarrier.arrive $0xFFFF;
	_ =	sdelay $0x1  }
0x1cb: {  	_ =	sfence.sel $0x180000  }
0x1cc: {  	[bflag:$0x0] =	sbarrier.arrive $0xFFFF  }
0x1cd: {  	_ =	strace $0x90000047  }
0x1ce: {  	s0 =	stileid.u32;
	[bflag:$0x2] =	sbarrier.arrive $0xFFFF  }
0x1cf: {  	p0 =	sne.s32 s0, $0x0;
	s0 =	rddreg [dreg:$0x4]  }
0x1d0: {  	s0 =	sadd.s32 @!p0 $0x100000, s0  }
0x1d1: {  	[sflag:s0] =	ssyncadd.tile.s32 @!p0 $0x1;
	_ =	shalt  }
.Lfunc_end2:
_tile_overlayer_lowered:
.L_overlay_start_2:
0x1d2: {  	(tag) =	ssettag $0x2  }
0x1d3: {  	s0 =	rddreg [dreg:$0x0];
	s2 =	stileid.u32  }
0x1d4: {  	s1 =	rddreg [dreg:$0x1];
	p0 =	sne.s32 s2, $0x0  }
0x1d5: {  	s3 =	rddreg [dreg:$0x2];
	[bflag:$0x3] =	sbarrier.arrive $0xFFFF;
	s2 =	simm.s32 @!p0 $0x1C0B  }
0x1d6: {  	[timem:s3], [sflag:s2] =	dma.local @!p0 [hbm:s0], s1  }
0x1d7: {  	s0 =	simm.s32 @!p0 $0xB  }
0x1d8: {  	_ =	swait.ge @!p0 [sflag:s0], s1  }
0x1d9: {  	s1 =	ssub.s32 @!p0 $0x0, s1;
	[sflag:s0] =	ssyncset.done @!p0 $0x0  }
0x1da: {  	[sflag:s0] =	ssyncadd.s32 @!p0 s1  }
0x1db: {  	[bflag:$0x3] =	sbarrier.arrive $0xFFFF  }
0x1dc: {  	_ =	shalt  }

</sc_bundles>
